<compile_context>
chip_gen: v7x
topology: tpu7x:2x2x1
jax: 0.10.2.dev20260603
libtpu: 0.0.44.dev20260713+nightly
codegen_flags: <defaults>
</compile_context>

<pallas_src>
import functools

import jax
import jax.numpy as jnp
from jax import lax
from jax.experimental import pallas as pl
from jax.experimental.pallas import tpu as pltpu
from jax.experimental.pallas import tpu_sc as plsc

KV = 512
RD = 64
ROW = KV + RD
NSLOTS = 256 * 256
NTOK = 32 * 256
PS = 256
L = 16
NW = 32
SLOTS_PER_W = NSLOTS // NW
CH = 64
MAXCH = SLOTS_PER_W // CH

_mesh = plsc.VectorSubcoreMesh(core_axis_name="c", subcore_axis_name="s")


@functools.partial(
    pl.kernel,
    out_type=(),
    mesh=_mesh,
    compiler_params=pltpu.CompilerParams(needs_layout_passes=False),
    scratch_types=[
        pltpu.VMEM((NTOK,), jnp.int32),
        pltpu.VMEM((NTOK,), jnp.int32),
        pltpu.VMEM((SLOTS_PER_W,), jnp.int32),
        pltpu.VMEM((SLOTS_PER_W,), jnp.int32),
        pltpu.VMEM((SLOTS_PER_W,), jnp.int32),
        pltpu.VMEM((MAXCH, CH), jnp.int32),
        pltpu.VMEM((2 * CH, KV), jnp.float32),
        pltpu.SemaphoreType.DMA,
        pltpu.SemaphoreType.DMA,
        pltpu.SemaphoreType.DMA,
        pltpu.SemaphoreType.DMA,
    ],
)
def _sc_scatter(ksv, pi, po, kc, pi_v, po_v, w_v, src_f, dst_f, d2, stk,
                sem_ix, sem_g, sem_k, sem_v):
    wid = lax.axis_index("s") * 2 + lax.axis_index("c")
    base_slot = wid * SLOTS_PER_W

    pltpu.async_copy(pi, pi_v, sem_ix)
    pltpu.async_copy(po, po_v, sem_ix)

    def _init(i, carry):
        w_v[pl.ds(i * L, L)] = jnp.full((L,), -1, jnp.int32)
        return carry

    lax.fori_loop(0, SLOTS_PER_W // L, _init, 0)
    pltpu.make_async_copy(pi, pi_v, sem_ix).wait()
    pltpu.make_async_copy(po, po_v, sem_ix).wait()

    def _winner(g, carry):
        flat = pi_v[pl.ds(g * L, L)] * PS + po_v[pl.ds(g * L, L)]
        tok = lax.iota(jnp.int32, L) + g * L
        _, last = plsc.scan_count(flat)
        rel = flat - base_slot
        m = last & (rel >= 0) & (rel < SLOTS_PER_W)
        rel_safe = jnp.where(m, rel, 0)
        plsc.store_scatter(w_v, [rel_safe], tok, mask=m)
        return carry

    lax.fori_loop(0, NTOK // L, _winner, 0)

    def _compact(g, off):
        wv = w_v[pl.ds(g * L, L)]
        m = wv >= 0
        slots = lax.iota(jnp.int32, L) + (base_slot + g * L)
        plsc.store_compressed(src_f.at[pl.ds(off, L)], wv, mask=m)
        plsc.store_compressed(dst_f.at[pl.ds(off, L)], slots, mask=m)
        return off + jnp.sum(jnp.where(m, jnp.int32(1), jnp.int32(0)))

    nhit = lax.fori_loop(0, SLOTS_PER_W // L, _compact, jnp.int32(0))
    nch = (nhit + (CH - 1)) // CH

    @pl.when(nhit > 0)
    def _():
        d0 = dst_f[pl.ds(0, L)]
        s0 = src_f[pl.ds(0, L)]
        pad_d = jnp.full((L,), d0[0], jnp.int32)
        pad_s = jnp.full((L,), s0[0], jnp.int32)

        def _pad(g, carry):
            idx = lax.iota(jnp.int32, L) + g * L
            m = idx >= nhit
            dv = dst_f[pl.ds(g * L, L)]
            sv = src_f[pl.ds(g * L, L)]
            dst_f[pl.ds(g * L, L)] = jnp.where(m, pad_d, dv)
            src_f[pl.ds(g * L, L)] = jnp.where(m, pad_s, sv)
            return carry

        lax.fori_loop(nhit // L, (nch * CH) // L, _pad, 0)

        def _t(r, carry):
            for cg in range(CH // L):
                d2[r, pl.ds(cg * L, L)] = dst_f[pl.ds(r * CH + cg * L, L)]
            return carry

        lax.fori_loop(0, nch, _t, 0)

        def _vals(g, carry):
            dv = dst_f[pl.ds(g * L, L)]
            sv = src_f[pl.ds(g * L, L)]
            base = g * L
            for lane in range(L):
                @pl.when(base + lane < nhit)
                def _(d=dv[lane], s=sv[lane]):
                    pltpu.async_copy(
                        ksv.at[pl.ds(s, 1), pl.ds(KV, RD)],
                        kc.at[pl.ds(d, 1), pl.ds(KV, RD)],
                        sem_v,
                    )
            return carry

        nvg = (nhit + (L - 1)) // L
        lax.fori_loop(0, nvg, _vals, 0)

        def _g(j, b):
            return pltpu.make_async_copy(
                ksv.at[src_f.at[pl.ds(j * CH, CH)], pl.ds(0, KV)],
                stk.at[pl.ds(b * CH, CH), :],
                sem_g,
            )

        def _s(j, b):
            return pltpu.make_async_copy(
                stk.at[pl.ds(b * CH, CH), :],
                kc.at[d2.at[j], pl.ds(0, KV)],
                sem_k,
            )

        _g(0, 0).start()

        def _chunk(j, carry):
            b = j % 2
            _g(j, b).wait()

            @pl.when(j >= 1)
            def _():
                _s(j - 1, 1 - b).wait()

            @pl.when(j + 1 < nch)
            def _():
                _g(j + 1, 1 - b).start()

            _s(j, b).start()
            return carry

        lax.fori_loop(0, nch, _chunk, 0)
        _s(nch - 1, (nch - 1) % 2).wait()

        def _drain(i, carry):
            pltpu.make_async_copy(
                ksv.at[pl.ds(0, 1), pl.ds(KV, RD)],
                kc.at[pl.ds(0, 1), pl.ds(KV, RD)],
                sem_v,
            ).wait()
            return carry

        lax.fori_loop(0, nhit, _drain, 0)


def kernel(key_states, value_states, layer_idx, page_idx, page_offset, k_cache):
    ksv = jnp.concatenate(
        [key_states.reshape(NTOK, KV), value_states.reshape(NTOK, RD)], axis=1
    )
    pi = page_idx.astype(jnp.int32)
    po = page_offset.astype(jnp.int32)
    kc_ref = jax.new_ref(k_cache.reshape(NSLOTS, ROW))
    _sc_scatter(ksv, pi, po, kc_ref)
    return kc_ref[...].reshape(k_cache.shape)

# --- scband reference (transcript-rebuilt; emitter-appended) ---
"""Pipeline reference for scband-kdeep-seek-v3-cache-42906723287457 (READ-ONLY COPY).

The authoritative reference and input builder live on the scoring server;
editing this copy changes nothing except your own understanding.
"""

import jax, jax.numpy as jnp
import numpy as np

KV_LORA_RANK = 512
ROPE_DIM = 64
NUM_PAGES = 256
PAGE_SIZE = 256
BATCH = 32
SEQ = 256


def setup_inputs(seed: int = 0) -> dict:
    key = jax.random.key(seed)
    k1, k2, k3, k4, k5 = jax.random.split(key, 5)
    key_states = jax.random.normal(k1, (BATCH, SEQ, 1, KV_LORA_RANK), dtype=jnp.float32)
    value_states = jax.random.normal(k2, (BATCH, SEQ, 1, ROPE_DIM), dtype=jnp.float32)
    page_idx = jax.random.randint(k3, (BATCH * SEQ,), 0, NUM_PAGES, dtype=jnp.int64 if jax.config.jax_enable_x64 else jnp.int32)
    page_offset = jax.random.randint(k4, (BATCH * SEQ,), 0, PAGE_SIZE, dtype=jnp.int64 if jax.config.jax_enable_x64 else jnp.int32)
    # Paged KV cache for layer 0: [num_pages, page_size, 1 latent head, kv_lora_rank + rope_dim]
    k_cache = jax.random.normal(k5, (NUM_PAGES, PAGE_SIZE, 1, KV_LORA_RANK + ROPE_DIM), dtype=jnp.float32)
    return {
        "key_states": key_states,
        "value_states": value_states,
        "layer_idx": 0,
        "page_idx": page_idx,
        "page_offset": page_offset,
        "k_cache": k_cache,
    }


def reference(key_states, value_states, layer_idx, page_idx, page_offset, k_cache):
    # Faithful translation of KDeepSeekV3Cache.update for layer `layer_idx`.
    # k_out[page_idx, page_offset, :, :kv_lora_rank] = key_states.reshape(-1, *key_states.shape[2:])
    # k_out[page_idx, page_offset, :, kv_lora_rank:] = value_states.reshape(-1, *value_states.shape[2:])
    kv_lora_rank = KV_LORA_RANK
    ks = key_states.reshape((-1,) + key_states.shape[2:])
    vs = value_states.reshape((-1,) + value_states.shape[2:])
    k_out = k_cache.at[page_idx, page_offset, :, :kv_lora_rank].set(ks)
    k_out = k_out.at[page_idx, page_offset, :, kv_lora_rank:].set(vs)
    return k_out

if __name__ == "__main__":
    import jax
    _d = setup_inputs()
    print(jax.jit(kernel)(*tuple(_d.values())))

</pallas_src>

<mosaic_0001>
#map = affine_map<(d0, d1) -> (0, 0)>
#map1 = affine_map<(d0, d1) -> (0)>
module attributes {stable_mosaic.version = 14 : i64} {
  func.func @new_body(%arg0: i32, %arg1: i32, %arg2: memref<8192x576xf32, #tpu.memory_space<hbm>>, %arg3: memref<8192xi32, #tpu.memory_space<hbm>>, %arg4: memref<8192xi32, #tpu.memory_space<hbm>>, %arg5: memref<65536x576xf32, #tpu.memory_space<hbm>>, %arg6: memref<65536x576xf32, #tpu.memory_space<hbm>>, %arg7: memref<8192xi32, #tpu.memory_space<vmem>>, %arg8: memref<8192xi32, #tpu.memory_space<vmem>>, %arg9: memref<2048xi32, #tpu.memory_space<vmem>>, %arg10: memref<2048xi32, #tpu.memory_space<vmem>>, %arg11: memref<2048xi32, #tpu.memory_space<vmem>>, %arg12: memref<32x64xi32, #tpu.memory_space<vmem>>, %arg13: memref<128x512xf32, #tpu.memory_space<vmem>>, %arg14: memref<!tpu.dma_semaphore, #tpu.memory_space<semaphore_mem>>, %arg15: memref<!tpu.dma_semaphore, #tpu.memory_space<semaphore_mem>>, %arg16: memref<!tpu.dma_semaphore, #tpu.memory_space<semaphore_mem>>, %arg17: memref<!tpu.dma_semaphore, #tpu.memory_space<semaphore_mem>>) attributes {dimension_semantics = [#tpu.dimension_semantics<core_parallel>, #tpu.dimension_semantics<subcore_parallel>], iteration_bounds = array<i64: 2, 16>, scalar_prefetch = 0 : i64, scratch_operands = 11 : i64, tpu.core_type = #tpu.core_type<sc_vector_subcore>, window_params = [{transform_indices = #map}, {transform_indices = #map1}, {transform_indices = #map1}, {transform_indices = #map}, {transform_indices = #map}]} {
    %mul3A = arith.constant 2 : i32
    %mul3A_0 = arith.muli %arg1, %mul3A : i32
    %add3A = arith.addi %mul3A_0, %arg0 : i32
    %mul3A_1 = arith.constant 2048 : i32
    %mul3A_2 = arith.muli %add3A, %mul3A_1 : i32
    tpu.enqueue_dma source(%arg3 : memref<8192xi32, #tpu.memory_space<hbm>>) target(%arg7 : memref<8192xi32, #tpu.memory_space<vmem>>) target_semaphore(%arg14 : memref<!tpu.dma_semaphore, #tpu.memory_space<semaphore_mem>>)
    tpu.enqueue_dma source(%arg4 : memref<8192xi32, #tpu.memory_space<hbm>>) target(%arg8 : memref<8192xi32, #tpu.memory_space<vmem>>) target_semaphore(%arg14 : memref<!tpu.dma_semaphore, #tpu.memory_space<semaphore_mem>>)
    %scan3A = arith.constant 0 : i32
    %scan3A_3 = arith.constant 0 : i32
    %scan3A_4 = arith.constant 128 : i32
    %scan3A_5 = arith.addi %scan3A_3, %scan3A_4 : i32
    %scan3A_6 = arith.constant 1 : i32
    scf.for %scan3A_41 = %scan3A_3 to %scan3A_5 step %scan3A_6  : i32 {
      %broadcast_in_dim3A = arith.constant -1 : i32
      %broadcast_in_dim3A_42 = vector.broadcast %broadcast_in_dim3A : i32 to vector<16xi32>
      %mul3A_43 = arith.constant 16 : i32
      %mul3A_44 = arith.muli %scan3A_41, %mul3A_43 : i32
      %swap3A = arith.index_cast %mul3A_44 : i32 to index
      %swap3A_45 = tpu.vector_load %arg9[%swap3A] {strides = array<i32>} : memref<2048xi32, #tpu.memory_space<vmem>>, vector<16xi32>,
      tpu.vector_store %arg9[%swap3A], %broadcast_in_dim3A_42 {strides = array<i32>} : memref<2048xi32, #tpu.memory_space<vmem>>, vector<16xi32>,
    }
    %scan3A_7 = arith.constant 128 : i32
    tpu.wait_dma2 semaphore(%arg14 : memref<!tpu.dma_semaphore, #tpu.memory_space<semaphore_mem>>) src(%arg3 : memref<8192xi32, #tpu.memory_space<hbm>>) dst(%arg7 : memref<8192xi32, #tpu.memory_space<vmem>>)
    tpu.wait_dma2 semaphore(%arg14 : memref<!tpu.dma_semaphore, #tpu.memory_space<semaphore_mem>>) src(%arg4 : memref<8192xi32, #tpu.memory_space<hbm>>) dst(%arg8 : memref<8192xi32, #tpu.memory_space<vmem>>)
    %scan3A_8 = arith.constant 0 : i32
    %scan3A_9 = arith.constant 0 : i32
    %scan3A_10 = arith.constant 512 : i32
    %scan3A_11 = arith.addi %scan3A_9, %scan3A_10 : i32
    %scan3A_12 = arith.constant 1 : i32
    scf.for %scan3A_41 = %scan3A_9 to %scan3A_11 step %scan3A_12  : i32 {
      %mul3A_42 = arith.constant 16 : i32
      %mul3A_43 = arith.muli %scan3A_41, %mul3A_42 : i32
      %get3A = arith.index_cast %mul3A_43 : i32 to index
      %get3A_44 = tpu.vector_load %arg7[%get3A] {strides = array<i32>} : memref<8192xi32, #tpu.memory_space<vmem>>, vector<16xi32>,
      %mul3A_45 = arith.constant 256 : i32
      %mul3A_46 = vector.broadcast %mul3A_45 : i32 to vector<16xi32>
      %mul3A_47 = arith.muli %get3A_44, %mul3A_46 : vector<16xi32>
      %mul3A_48 = arith.constant 16 : i32
      %mul3A_49 = arith.muli %scan3A_41, %mul3A_48 : i32
      %get3A_50 = arith.index_cast %mul3A_49 : i32 to index
      %get3A_51 = tpu.vector_load %arg8[%get3A_50] {strides = array<i32>} : memref<8192xi32, #tpu.memory_space<vmem>>, vector<16xi32>,
      %add3A_52 = arith.addi %mul3A_47, %get3A_51 : vector<16xi32>
      %iota3A = tpu.iota {dimensions = array<i32: 0>} : vector<16xi32>
      %mul3A_53 = arith.constant 16 : i32
      %mul3A_54 = arith.muli %scan3A_41, %mul3A_53 : i32
      %add3A_55 = vector.broadcast %mul3A_54 : i32 to vector<16xi32>
      %add3A_56 = arith.addi %iota3A, %add3A_55 : vector<16xi32>
      %broadcast_in_dim3A = arith.constant true
      %broadcast_in_dim3A_57 = vector.broadcast %broadcast_in_dim3A : i1 to vector<16xi1>
      %unique3A, %unique3A_58 = tpu.scan_count mask(%broadcast_in_dim3A_57 : vector<16xi1>) value(%add3A_52 : vector<16xi32>) : vector<16xi1>, vector<16xi32>
      %sub3A_59 = vector.broadcast %mul3A_2 : i32 to vector<16xi32>
      %sub3A_60 = arith.subi %add3A_52, %sub3A_59 : vector<16xi32>
      %ge3A = arith.constant 0 : i32
      %ge3A_61 = vector.broadcast %ge3A : i32 to vector<16xi32>
      %ge3A_62 = arith.cmpi sge, %sub3A_60, %ge3A_61 : vector<16xi32>
      %and3A_63 = arith.andi %unique3A, %ge3A_62 : vector<16xi1>
      %lt3A = arith.constant 2048 : i32
      %lt3A_64 = vector.broadcast %lt3A : i32 to vector<16xi32>
      %lt3A_65 = arith.cmpi slt, %sub3A_60, %lt3A_64 : vector<16xi32>
      %and3A_66 = arith.andi %and3A_63, %lt3A_65 : vector<16xi1>
      %jit3A_67 = arith.constant 0 : i32
      %broadcast_in_dim3A_68 = vector.broadcast %jit3A_67 : i32 to vector<16xi32>
      %select_n3A_69 = arith.select %and3A_66, %sub3A_60, %broadcast_in_dim3A_68 : vector<16xi1>, vector<16xi32>
      tpu.vector_store_idx %arg9[%select_n3A_69], %add3A_56 masked %and3A_66 : memref<2048xi32, #tpu.memory_space<vmem>>[vector<16xi32>], vector<16xi32>, vector<16xi1>
    }
    %scan3A_13 = arith.constant 512 : i32
    %scan3A_14 = arith.constant 0 : i32
    %scan3A_15 = arith.constant 0 : i32
    %scan3A_16 = arith.constant 128 : i32
    %scan3A_17 = arith.addi %scan3A_15, %scan3A_16 : i32
    %scan3A_18 = arith.constant 1 : i32
    %scan3A_19 = scf.for %scan3A_41 = %scan3A_15 to %scan3A_17 step %scan3A_18 iter_args(%scan3A_42 = %scan3A_14) -> (i32)  : i32 {
      %mul3A_43 = arith.constant 16 : i32
      %mul3A_44 = arith.muli %scan3A_41, %mul3A_43 : i32
      %get3A = arith.index_cast %mul3A_44 : i32 to index
      %get3A_45 = tpu.vector_load %arg9[%get3A] {strides = array<i32>} : memref<2048xi32, #tpu.memory_space<vmem>>, vector<16xi32>,
      %ge3A = arith.constant 0 : i32
      %ge3A_46 = vector.broadcast %ge3A : i32 to vector<16xi32>
      %ge3A_47 = arith.cmpi sge, %get3A_45, %ge3A_46 : vector<16xi32>
      %iota3A = tpu.iota {dimensions = array<i32: 0>} : vector<16xi32>
      %mul3A_48 = arith.constant 16 : i32
      %mul3A_49 = arith.muli %scan3A_41, %mul3A_48 : i32
      %add3A_50 = arith.addi %mul3A_2, %mul3A_49 : i32
      %add3A_51 = vector.broadcast %add3A_50 : i32 to vector<16xi32>
      %add3A_52 = arith.addi %iota3A, %add3A_51 : vector<16xi32>
      %swap3A = arith.index_cast %scan3A_42 : i32 to index
      %swap3A_53 = tpu.vector_load %arg10[%swap3A] masked %ge3A_47 {strides = array<i32>} : memref<2048xi32, #tpu.memory_space<vmem>>, vector<16xi32>, vector<16xi1>
      tpu.vector_store %arg10[%swap3A], %get3A_45 masked %ge3A_47 {strides = array<i32>} : memref<2048xi32, #tpu.memory_space<vmem>>, vector<16xi32>, vector<16xi1>
      %swap3A_54 = arith.index_cast %scan3A_42 : i32 to index
      %swap3A_55 = tpu.vector_load %arg11[%swap3A_54] masked %ge3A_47 {strides = array<i32>} : memref<2048xi32, #tpu.memory_space<vmem>>, vector<16xi32>, vector<16xi1>
      tpu.vector_store %arg11[%swap3A_54], %add3A_52 masked %ge3A_47 {strides = array<i32>} : memref<2048xi32, #tpu.memory_space<vmem>>, vector<16xi32>, vector<16xi1>
      %jit3A_56 = arith.constant 1 : i32
      %jit3A_57 = arith.constant 0 : i32
      %broadcast_in_dim3A = vector.broadcast %jit3A_56 : i32 to vector<16xi32>
      %broadcast_in_dim3A_58 = vector.broadcast %jit3A_57 : i32 to vector<16xi32>
      %select_n3A_59 = arith.select %ge3A_47, %broadcast_in_dim3A, %broadcast_in_dim3A_58 : vector<16xi1>, vector<16xi32>
      %reduce_sum3A = arith.constant true
      %reduce_sum3A_60 = vector.broadcast %reduce_sum3A : i1 to vector<16xi1>
      %reduce_sum3A_61 = tpu.scan <sum>, %select_n3A_59 masked %reduce_sum3A_60 : vector<16xi32>, vector<16xi1> -> vector<16xi32>
      %reduce_sum3A_62 = vector.extract %reduce_sum3A_61[15] : i32 from vector<16xi32>
      %add3A_63 = arith.addi %scan3A_42, %reduce_sum3A_62 : i32
      scf.yield %add3A_63 : i32
    }
    %scan3A_20 = arith.constant 128 : i32
    %add3A_21 = arith.constant 63 : i32
    %add3A_22 = arith.addi %scan3A_19, %add3A_21 : i32
    %jit3A = arith.constant 64 : i32
    %div3A = arith.divsi %add3A_22, %jit3A : i32
    %sign3A = arith.constant 0 : i32
    %sign3A_23 = arith.cmpi sgt, %add3A_22, %sign3A : i32
    %sign3A_24 = arith.extui %sign3A_23 : i1 to i32
    %sign3A_25 = arith.constant 0 : i32
    %sign3A_26 = arith.cmpi slt, %add3A_22, %sign3A_25 : i32
    %sign3A_27 = arith.extui %sign3A_26 : i1 to i32
    %sign3A_28 = arith.subi %sign3A_24, %sign3A_27 : i32
    %sign3A_29 = arith.constant 0 : i32
    %sign3A_30 = arith.cmpi sgt, %jit3A, %sign3A_29 : i32
    %sign3A_31 = arith.extui %sign3A_30 : i1 to i32
    %sign3A_32 = arith.constant 0 : i32
    %sign3A_33 = arith.cmpi slt, %jit3A, %sign3A_32 : i32
    %sign3A_34 = arith.extui %sign3A_33 : i1 to i32
    %sign3A_35 = arith.subi %sign3A_31, %sign3A_34 : i32
    %ne3A = arith.cmpi ne, %sign3A_28, %sign3A_35 : i32
    %rem3A = arith.remsi %add3A_22, %jit3A : i32
    %ne3A_36 = arith.constant 0 : i32
    %ne3A_37 = arith.cmpi ne, %rem3A, %ne3A_36 : i32
    %and3A = arith.andi %ne3A, %ne3A_37 : i1
    %sub3A = arith.constant 1 : i32
    %sub3A_38 = arith.subi %div3A, %sub3A : i32
    %select_n3A = arith.select %and3A, %sub3A_38, %div3A : i32
    %gt3A = arith.constant 0 : i32
    %gt3A_39 = arith.cmpi sgt, %scan3A_19, %gt3A : i32
    %convert_element_type3A = arith.extui %gt3A_39 : i1 to i32
    %cond3A = arith.constant 0 : i32
    %cond3A_40 = arith.cmpi ne, %convert_element_type3A, %cond3A : i32
    scf.if %cond3A_40 {
      %get3A = arith.constant 0 : index
      %get3A_41 = tpu.vector_load %arg11[%get3A] {strides = array<i32>} : memref<2048xi32, #tpu.memory_space<vmem>>, vector<16xi32>,
      %get3A_42 = arith.constant 0 : index
      %get3A_43 = tpu.vector_load %arg10[%get3A_42] {strides = array<i32>} : memref<2048xi32, #tpu.memory_space<vmem>>, vector<16xi32>,
      %slice3A = vector.extract_strided_slice %get3A_41 {offsets = [0], sizes = [1], strides = [1]} : vector<16xi32> to vector<1xi32>
      %squeeze3A = vector.extract %slice3A[0] : i32 from vector<1xi32>
      %broadcast_in_dim3A = vector.broadcast %squeeze3A : i32 to vector<16xi32>
      %slice3A_44 = vector.extract_strided_slice %get3A_43 {offsets = [0], sizes = [1], strides = [1]} : vector<16xi32> to vector<1xi32>
      %squeeze3A_45 = vector.extract %slice3A_44[0] : i32 from vector<1xi32>
      %broadcast_in_dim3A_46 = vector.broadcast %squeeze3A_45 : i32 to vector<16xi32>
      %jit3A_47 = arith.constant 16 : i32
      %div3A_48 = arith.divsi %scan3A_19, %jit3A_47 : i32
      %sign3A_49 = arith.constant 0 : i32
      %sign3A_50 = arith.cmpi sgt, %scan3A_19, %sign3A_49 : i32
      %sign3A_51 = arith.extui %sign3A_50 : i1 to i32
      %sign3A_52 = arith.constant 0 : i32
      %sign3A_53 = arith.cmpi slt, %scan3A_19, %sign3A_52 : i32
      %sign3A_54 = arith.extui %sign3A_53 : i1 to i32
      %sign3A_55 = arith.subi %sign3A_51, %sign3A_54 : i32
      %sign3A_56 = arith.constant 0 : i32
      %sign3A_57 = arith.cmpi sgt, %jit3A_47, %sign3A_56 : i32
      %sign3A_58 = arith.extui %sign3A_57 : i1 to i32
      %sign3A_59 = arith.constant 0 : i32
      %sign3A_60 = arith.cmpi slt, %jit3A_47, %sign3A_59 : i32
      %sign3A_61 = arith.extui %sign3A_60 : i1 to i32
      %sign3A_62 = arith.subi %sign3A_58, %sign3A_61 : i32
      %ne3A_63 = arith.cmpi ne, %sign3A_55, %sign3A_62 : i32
      %rem3A_64 = arith.remsi %scan3A_19, %jit3A_47 : i32
      %ne3A_65 = arith.constant 0 : i32
      %ne3A_66 = arith.cmpi ne, %rem3A_64, %ne3A_65 : i32
      %and3A_67 = arith.andi %ne3A_63, %ne3A_66 : i1
      %sub3A_68 = arith.constant 1 : i32
      %sub3A_69 = arith.subi %div3A_48, %sub3A_68 : i32
      %select_n3A_70 = arith.select %and3A_67, %sub3A_69, %div3A_48 : i32
      %mul3A_71 = arith.constant 64 : i32
      %mul3A_72 = arith.muli %select_n3A, %mul3A_71 : i32
      %jit3A_73 = arith.constant 16 : i32
      %div3A_74 = arith.divsi %mul3A_72, %jit3A_73 : i32
      %sign3A_75 = arith.constant 0 : i32
      %sign3A_76 = arith.cmpi sgt, %mul3A_72, %sign3A_75 : i32
      %sign3A_77 = arith.extui %sign3A_76 : i1 to i32
      %sign3A_78 = arith.constant 0 : i32
      %sign3A_79 = arith.cmpi slt, %mul3A_72, %sign3A_78 : i32
      %sign3A_80 = arith.extui %sign3A_79 : i1 to i32
      %sign3A_81 = arith.subi %sign3A_77, %sign3A_80 : i32
      %sign3A_82 = arith.constant 0 : i32
      %sign3A_83 = arith.cmpi sgt, %jit3A_73, %sign3A_82 : i32
      %sign3A_84 = arith.extui %sign3A_83 : i1 to i32
      %sign3A_85 = arith.constant 0 : i32
      %sign3A_86 = arith.cmpi slt, %jit3A_73, %sign3A_85 : i32
      %sign3A_87 = arith.extui %sign3A_86 : i1 to i32
      %sign3A_88 = arith.subi %sign3A_84, %sign3A_87 : i32
      %ne3A_89 = arith.cmpi ne, %sign3A_81, %sign3A_88 : i32
      %rem3A_90 = arith.remsi %mul3A_72, %jit3A_73 : i32
      %ne3A_91 = arith.constant 0 : i32
      %ne3A_92 = arith.cmpi ne, %rem3A_90, %ne3A_91 : i32
      %and3A_93 = arith.andi %ne3A_89, %ne3A_92 : i1
      %sub3A_94 = arith.constant 1 : i32
      %sub3A_95 = arith.subi %div3A_74, %sub3A_94 : i32
      %select_n3A_96 = arith.select %and3A_93, %sub3A_95, %div3A_74 : i32
      %while3A = arith.constant 0 : i32
      %while3A_97 = arith.subi %select_n3A_96, %select_n3A_70 : i32
      %while3A_98 = arith.addi %select_n3A_70, %while3A_97 : i32
      %while3A_99 = arith.constant 1 : i32
      %while3A_100 = arith.divsi %while3A_97, %while3A_99 : i32
      %while3A_101 = arith.muli %while3A_100, %while3A_99 : i32
      %while3A_102 = arith.addi %select_n3A_70, %while3A_101 : i32
      %while3A_103 = arith.constant 1 : i32
      scf.for %while3A_205 = %select_n3A_70 to %while3A_102 step %while3A_103  : i32 {
        %iota3A = tpu.iota {dimensions = array<i32: 0>} : vector<16xi32>
        %mul3A_206 = arith.constant 16 : i32
        %mul3A_207 = arith.muli %while3A_205, %mul3A_206 : i32
        %add3A_208 = vector.broadcast %mul3A_207 : i32 to vector<16xi32>
        %add3A_209 = arith.addi %iota3A, %add3A_208 : vector<16xi32>
        %ge3A = vector.broadcast %scan3A_19 : i32 to vector<16xi32>
        %ge3A_210 = arith.cmpi sge, %add3A_209, %ge3A : vector<16xi32>
        %mul3A_211 = arith.constant 16 : i32
        %mul3A_212 = arith.muli %while3A_205, %mul3A_211 : i32
        %get3A_213 = arith.index_cast %mul3A_212 : i32 to index
        %get3A_214 = tpu.vector_load %arg11[%get3A_213] {strides = array<i32>} : memref<2048xi32, #tpu.memory_space<vmem>>, vector<16xi32>,
        %mul3A_215 = arith.constant 16 : i32
        %mul3A_216 = arith.muli %while3A_205, %mul3A_215 : i32
        %get3A_217 = arith.index_cast %mul3A_216 : i32 to index
        %get3A_218 = tpu.vector_load %arg10[%get3A_217] {strides = array<i32>} : memref<2048xi32, #tpu.memory_space<vmem>>, vector<16xi32>,
        %select_n3A_219 = arith.select %ge3A_210, %broadcast_in_dim3A, %get3A_214 : vector<16xi1>, vector<16xi32>
        %mul3A_220 = arith.constant 16 : i32
        %mul3A_221 = arith.muli %while3A_205, %mul3A_220 : i32
        %swap3A = arith.index_cast %mul3A_221 : i32 to index
        %swap3A_222 = tpu.vector_load %arg11[%swap3A] {strides = array<i32>} : memref<2048xi32, #tpu.memory_space<vmem>>, vector<16xi32>,
        tpu.vector_store %arg11[%swap3A], %select_n3A_219 {strides = array<i32>} : memref<2048xi32, #tpu.memory_space<vmem>>, vector<16xi32>,
        %select_n3A_223 = arith.select %ge3A_210, %broadcast_in_dim3A_46, %get3A_218 : vector<16xi1>, vector<16xi32>
        %mul3A_224 = arith.constant 16 : i32
        %mul3A_225 = arith.muli %while3A_205, %mul3A_224 : i32
        %swap3A_226 = arith.index_cast %mul3A_225 : i32 to index
        %swap3A_227 = tpu.vector_load %arg10[%swap3A_226] {strides = array<i32>} : memref<2048xi32, #tpu.memory_space<vmem>>, vector<16xi32>,
        tpu.vector_store %arg10[%swap3A_226], %select_n3A_223 {strides = array<i32>} : memref<2048xi32, #tpu.memory_space<vmem>>, vector<16xi32>,
      }
      %while3A_104 = arith.constant 1 : i32
      scf.for %while3A_205 = %while3A_102 to %while3A_98 step %while3A_104  : i32 {
        %iota3A = tpu.iota {dimensions = array<i32: 0>} : vector<16xi32>
        %mul3A_206 = arith.constant 16 : i32
        %mul3A_207 = arith.muli %while3A_205, %mul3A_206 : i32
        %add3A_208 = vector.broadcast %mul3A_207 : i32 to vector<16xi32>
        %add3A_209 = arith.addi %iota3A, %add3A_208 : vector<16xi32>
        %ge3A = vector.broadcast %scan3A_19 : i32 to vector<16xi32>
        %ge3A_210 = arith.cmpi sge, %add3A_209, %ge3A : vector<16xi32>
        %mul3A_211 = arith.constant 16 : i32
        %mul3A_212 = arith.muli %while3A_205, %mul3A_211 : i32
        %get3A_213 = arith.index_cast %mul3A_212 : i32 to index
        %get3A_214 = tpu.vector_load %arg11[%get3A_213] {strides = array<i32>} : memref<2048xi32, #tpu.memory_space<vmem>>, vector<16xi32>,
        %mul3A_215 = arith.constant 16 : i32
        %mul3A_216 = arith.muli %while3A_205, %mul3A_215 : i32
        %get3A_217 = arith.index_cast %mul3A_216 : i32 to index
        %get3A_218 = tpu.vector_load %arg10[%get3A_217] {strides = array<i32>} : memref<2048xi32, #tpu.memory_space<vmem>>, vector<16xi32>,
        %select_n3A_219 = arith.select %ge3A_210, %broadcast_in_dim3A, %get3A_214 : vector<16xi1>, vector<16xi32>
        %mul3A_220 = arith.constant 16 : i32
        %mul3A_221 = arith.muli %while3A_205, %mul3A_220 : i32
        %swap3A = arith.index_cast %mul3A_221 : i32 to index
        %swap3A_222 = tpu.vector_load %arg11[%swap3A] {strides = array<i32>} : memref<2048xi32, #tpu.memory_space<vmem>>, vector<16xi32>,
        tpu.vector_store %arg11[%swap3A], %select_n3A_219 {strides = array<i32>} : memref<2048xi32, #tpu.memory_space<vmem>>, vector<16xi32>,
        %select_n3A_223 = arith.select %ge3A_210, %broadcast_in_dim3A_46, %get3A_218 : vector<16xi1>, vector<16xi32>
        %mul3A_224 = arith.constant 16 : i32
        %mul3A_225 = arith.muli %while3A_205, %mul3A_224 : i32
        %swap3A_226 = arith.index_cast %mul3A_225 : i32 to index
        %swap3A_227 = tpu.vector_load %arg10[%swap3A_226] {strides = array<i32>} : memref<2048xi32, #tpu.memory_space<vmem>>, vector<16xi32>,
        tpu.vector_store %arg10[%swap3A_226], %select_n3A_223 {strides = array<i32>} : memref<2048xi32, #tpu.memory_space<vmem>>, vector<16xi32>,
      }
      %while3A_105 = arith.constant 0 : i32
      %while3A_106 = arith.constant 0 : i32
      %while3A_107 = arith.subi %select_n3A, %while3A_106 : i32
      %while3A_108 = arith.addi %while3A_106, %while3A_107 : i32
      %while3A_109 = arith.constant 1 : i32
      %while3A_110 = arith.divsi %while3A_107, %while3A_109 : i32
      %while3A_111 = arith.muli %while3A_110, %while3A_109 : i32
      %while3A_112 = arith.addi %while3A_106, %while3A_111 : i32
      %while3A_113 = arith.constant 1 : i32
      scf.for %while3A_205 = %while3A_106 to %while3A_112 step %while3A_113  : i32 {
        %mul3A_206 = arith.constant 64 : i32
        %mul3A_207 = arith.muli %while3A_205, %mul3A_206 : i32
        %add3A_208 = arith.constant 0 : i32
        %add3A_209 = arith.addi %mul3A_207, %add3A_208 : i32
        %get3A_210 = arith.index_cast %add3A_209 : i32 to index
        %get3A_211 = tpu.vector_load %arg11[%get3A_210] {strides = array<i32>} : memref<2048xi32, #tpu.memory_space<vmem>>, vector<16xi32>,
        %swap3A = arith.index_cast %while3A_205 : i32 to index
        %swap3A_212 = arith.constant 0 : index
        %swap3A_213 = tpu.vector_load %arg12[%swap3A, %swap3A_212] {strides = array<i32>} : memref<32x64xi32, #tpu.memory_space<vmem>>, vector<16xi32>,
        tpu.vector_store %arg12[%swap3A, %swap3A_212], %get3A_211 {strides = array<i32>} : memref<32x64xi32, #tpu.memory_space<vmem>>, vector<16xi32>,
        %mul3A_214 = arith.constant 64 : i32
        %mul3A_215 = arith.muli %while3A_205, %mul3A_214 : i32
        %add3A_216 = arith.constant 16 : i32
        %add3A_217 = arith.addi %mul3A_215, %add3A_216 : i32
        %get3A_218 = arith.index_cast %add3A_217 : i32 to index
        %get3A_219 = tpu.vector_load %arg11[%get3A_218] {strides = array<i32>} : memref<2048xi32, #tpu.memory_space<vmem>>, vector<16xi32>,
        %swap3A_220 = arith.index_cast %while3A_205 : i32 to index
        %swap3A_221 = arith.constant 16 : index
        %swap3A_222 = tpu.vector_load %arg12[%swap3A_220, %swap3A_221] {strides = array<i32>} : memref<32x64xi32, #tpu.memory_space<vmem>>, vector<16xi32>,
        tpu.vector_store %arg12[%swap3A_220, %swap3A_221], %get3A_219 {strides = array<i32>} : memref<32x64xi32, #tpu.memory_space<vmem>>, vector<16xi32>,
        %mul3A_223 = arith.constant 64 : i32
        %mul3A_224 = arith.muli %while3A_205, %mul3A_223 : i32
        %add3A_225 = arith.constant 32 : i32
        %add3A_226 = arith.addi %mul3A_224, %add3A_225 : i32
        %get3A_227 = arith.index_cast %add3A_226 : i32 to index
        %get3A_228 = tpu.vector_load %arg11[%get3A_227] {strides = array<i32>} : memref<2048xi32, #tpu.memory_space<vmem>>, vector<16xi32>,
        %swap3A_229 = arith.index_cast %while3A_205 : i32 to index
        %swap3A_230 = arith.constant 32 : index
        %swap3A_231 = tpu.vector_load %arg12[%swap3A_229, %swap3A_230] {strides = array<i32>} : memref<32x64xi32, #tpu.memory_space<vmem>>, vector<16xi32>,
        tpu.vector_store %arg12[%swap3A_229, %swap3A_230], %get3A_228 {strides = array<i32>} : memref<32x64xi32, #tpu.memory_space<vmem>>, vector<16xi32>,
        %mul3A_232 = arith.constant 64 : i32
        %mul3A_233 = arith.muli %while3A_205, %mul3A_232 : i32
        %add3A_234 = arith.constant 48 : i32
        %add3A_235 = arith.addi %mul3A_233, %add3A_234 : i32
        %get3A_236 = arith.index_cast %add3A_235 : i32 to index
        %get3A_237 = tpu.vector_load %arg11[%get3A_236] {strides = array<i32>} : memref<2048xi32, #tpu.memory_space<vmem>>, vector<16xi32>,
        %swap3A_238 = arith.index_cast %while3A_205 : i32 to index
        %swap3A_239 = arith.constant 48 : index
        %swap3A_240 = tpu.vector_load %arg12[%swap3A_238, %swap3A_239] {strides = array<i32>} : memref<32x64xi32, #tpu.memory_space<vmem>>, vector<16xi32>,
        tpu.vector_store %arg12[%swap3A_238, %swap3A_239], %get3A_237 {strides = array<i32>} : memref<32x64xi32, #tpu.memory_space<vmem>>, vector<16xi32>,
      }
      %while3A_114 = arith.constant 1 : i32
      scf.for %while3A_205 = %while3A_112 to %while3A_108 step %while3A_114  : i32 {
        %mul3A_206 = arith.constant 64 : i32
        %mul3A_207 = arith.muli %while3A_205, %mul3A_206 : i32
        %add3A_208 = arith.constant 0 : i32
        %add3A_209 = arith.addi %mul3A_207, %add3A_208 : i32
        %get3A_210 = arith.index_cast %add3A_209 : i32 to index
        %get3A_211 = tpu.vector_load %arg11[%get3A_210] {strides = array<i32>} : memref<2048xi32, #tpu.memory_space<vmem>>, vector<16xi32>,
        %swap3A = arith.index_cast %while3A_205 : i32 to index
        %swap3A_212 = arith.constant 0 : index
        %swap3A_213 = tpu.vector_load %arg12[%swap3A, %swap3A_212] {strides = array<i32>} : memref<32x64xi32, #tpu.memory_space<vmem>>, vector<16xi32>,
        tpu.vector_store %arg12[%swap3A, %swap3A_212], %get3A_211 {strides = array<i32>} : memref<32x64xi32, #tpu.memory_space<vmem>>, vector<16xi32>,
        %mul3A_214 = arith.constant 64 : i32
        %mul3A_215 = arith.muli %while3A_205, %mul3A_214 : i32
        %add3A_216 = arith.constant 16 : i32
        %add3A_217 = arith.addi %mul3A_215, %add3A_216 : i32
        %get3A_218 = arith.index_cast %add3A_217 : i32 to index
        %get3A_219 = tpu.vector_load %arg11[%get3A_218] {strides = array<i32>} : memref<2048xi32, #tpu.memory_space<vmem>>, vector<16xi32>,
        %swap3A_220 = arith.index_cast %while3A_205 : i32 to index
        %swap3A_221 = arith.constant 16 : index
        %swap3A_222 = tpu.vector_load %arg12[%swap3A_220, %swap3A_221] {strides = array<i32>} : memref<32x64xi32, #tpu.memory_space<vmem>>, vector<16xi32>,
        tpu.vector_store %arg12[%swap3A_220, %swap3A_221], %get3A_219 {strides = array<i32>} : memref<32x64xi32, #tpu.memory_space<vmem>>, vector<16xi32>,
        %mul3A_223 = arith.constant 64 : i32
        %mul3A_224 = arith.muli %while3A_205, %mul3A_223 : i32
        %add3A_225 = arith.constant 32 : i32
        %add3A_226 = arith.addi %mul3A_224, %add3A_225 : i32
        %get3A_227 = arith.index_cast %add3A_226 : i32 to index
        %get3A_228 = tpu.vector_load %arg11[%get3A_227] {strides = array<i32>} : memref<2048xi32, #tpu.memory_space<vmem>>, vector<16xi32>,
        %swap3A_229 = arith.index_cast %while3A_205 : i32 to index
        %swap3A_230 = arith.constant 32 : index
        %swap3A_231 = tpu.vector_load %arg12[%swap3A_229, %swap3A_230] {strides = array<i32>} : memref<32x64xi32, #tpu.memory_space<vmem>>, vector<16xi32>,
        tpu.vector_store %arg12[%swap3A_229, %swap3A_230], %get3A_228 {strides = array<i32>} : memref<32x64xi32, #tpu.memory_space<vmem>>, vector<16xi32>,
        %mul3A_232 = arith.constant 64 : i32
        %mul3A_233 = arith.muli %while3A_205, %mul3A_232 : i32
        %add3A_234 = arith.constant 48 : i32
        %add3A_235 = arith.addi %mul3A_233, %add3A_234 : i32
        %get3A_236 = arith.index_cast %add3A_235 : i32 to index
        %get3A_237 = tpu.vector_load %arg11[%get3A_236] {strides = array<i32>} : memref<2048xi32, #tpu.memory_space<vmem>>, vector<16xi32>,
        %swap3A_238 = arith.index_cast %while3A_205 : i32 to index
        %swap3A_239 = arith.constant 48 : index
        %swap3A_240 = tpu.vector_load %arg12[%swap3A_238, %swap3A_239] {strides = array<i32>} : memref<32x64xi32, #tpu.memory_space<vmem>>, vector<16xi32>,
        tpu.vector_store %arg12[%swap3A_238, %swap3A_239], %get3A_237 {strides = array<i32>} : memref<32x64xi32, #tpu.memory_space<vmem>>, vector<16xi32>,
      }
      %add3A_115 = arith.constant 15 : i32
      %add3A_116 = arith.addi %scan3A_19, %add3A_115 : i32
      %jit3A_117 = arith.constant 16 : i32
      %div3A_118 = arith.divsi %add3A_116, %jit3A_117 : i32
      %sign3A_119 = arith.constant 0 : i32
      %sign3A_120 = arith.cmpi sgt, %add3A_116, %sign3A_119 : i32
      %sign3A_121 = arith.extui %sign3A_120 : i1 to i32
      %sign3A_122 = arith.constant 0 : i32
      %sign3A_123 = arith.cmpi slt, %add3A_116, %sign3A_122 : i32
      %sign3A_124 = arith.extui %sign3A_123 : i1 to i32
      %sign3A_125 = arith.subi %sign3A_121, %sign3A_124 : i32
      %sign3A_126 = arith.constant 0 : i32
      %sign3A_127 = arith.cmpi sgt, %jit3A_117, %sign3A_126 : i32
      %sign3A_128 = arith.extui %sign3A_127 : i1 to i32
      %sign3A_129 = arith.constant 0 : i32
      %sign3A_130 = arith.cmpi slt, %jit3A_117, %sign3A_129 : i32
      %sign3A_131 = arith.extui %sign3A_130 : i1 to i32
      %sign3A_132 = arith.subi %sign3A_128, %sign3A_131 : i32
      %ne3A_133 = arith.cmpi ne, %sign3A_125, %sign3A_132 : i32
      %rem3A_134 = arith.remsi %add3A_116, %jit3A_117 : i32
      %ne3A_135 = arith.constant 0 : i32
      %ne3A_136 = arith.cmpi ne, %rem3A_134, %ne3A_135 : i32
      %and3A_137 = arith.andi %ne3A_133, %ne3A_136 : i1
      %sub3A_138 = arith.constant 1 : i32
      %sub3A_139 = arith.subi %div3A_118, %sub3A_138 : i32
      %select_n3A_140 = arith.select %and3A_137, %sub3A_139, %div3A_118 : i32
      %while3A_141 = arith.constant 0 : i32
      %while3A_142 = arith.constant 0 : i32
      %while3A_143 = arith.subi %select_n3A_140, %while3A_142 : i32
      %while3A_144 = arith.addi %while3A_142, %while3A_143 : i32
      %while3A_145 = arith.constant 1 : i32
      %while3A_146 = arith.divsi %while3A_143, %while3A_145 : i32
      %while3A_147 = arith.muli %while3A_146, %while3A_145 : i32
      %while3A_148 = arith.addi %while3A_142, %while3A_147 : i32
      %while3A_149 = arith.constant 1 : i32
      scf.for %while3A_205 = %while3A_142 to %while3A_148 step %while3A_149  : i32 {
        %mul3A_206 = arith.constant 16 : i32
        %mul3A_207 = arith.muli %while3A_205, %mul3A_206 : i32
        %get3A_208 = arith.index_cast %mul3A_207 : i32 to index
        %get3A_209 = tpu.vector_load %arg11[%get3A_208] {strides = array<i32>} : memref<2048xi32, #tpu.memory_space<vmem>>, vector<16xi32>,
        %mul3A_210 = arith.constant 16 : i32
        %mul3A_211 = arith.muli %while3A_205, %mul3A_210 : i32
        %get3A_212 = arith.index_cast %mul3A_211 : i32 to index
        %get3A_213 = tpu.vector_load %arg10[%get3A_212] {strides = array<i32>} : memref<2048xi32, #tpu.memory_space<vmem>>, vector<16xi32>,
        %mul3A_214 = arith.constant 16 : i32
        %mul3A_215 = arith.muli %while3A_205, %mul3A_214 : i32
        %add3A_216 = arith.constant 0 : i32
        %add3A_217 = arith.addi %mul3A_215, %add3A_216 : i32
        %lt3A_218 = arith.cmpi slt, %add3A_217, %scan3A_19 : i32
        %slice3A_219 = vector.extract_strided_slice %get3A_209 {offsets = [0], sizes = [1], strides = [1]} : vector<16xi32> to vector<1xi32>
        %squeeze3A_220 = vector.extract %slice3A_219[0] : i32 from vector<1xi32>
        %slice3A_221 = vector.extract_strided_slice %get3A_213 {offsets = [0], sizes = [1], strides = [1]} : vector<16xi32> to vector<1xi32>
        %squeeze3A_222 = vector.extract %slice3A_221[0] : i32 from vector<1xi32>
        %convert_element_type3A_223 = arith.extui %lt3A_218 : i1 to i32
        %cond3A_224 = arith.constant 0 : i32
        %cond3A_225 = arith.cmpi ne, %convert_element_type3A_223, %cond3A_224 : i32
        scf.if %cond3A_225 {
          %dma_start3A_376 = arith.constant 512 : i32
          %dma_start3A_377 = tpu.memref_slice %arg5[%squeeze3A_220, %dma_start3A_376] : memref<65536x576xf32, #tpu.memory_space<hbm>> -> memref<1x64xf32, #tpu.memory_space<hbm>>
          %dma_start3A_378 = arith.constant 512 : i32
          %dma_start3A_379 = tpu.memref_slice %arg2[%squeeze3A_222, %dma_start3A_378] : memref<8192x576xf32, #tpu.memory_space<hbm>> -> memref<1x64xf32, #tpu.memory_space<hbm>>
          tpu.enqueue_dma source(%dma_start3A_379 : memref<1x64xf32, #tpu.memory_space<hbm>>) target(%dma_start3A_377 : memref<1x64xf32, #tpu.memory_space<hbm>>) target_semaphore(%arg17 : memref<!tpu.dma_semaphore, #tpu.memory_space<semaphore_mem>>)
        } else {
        }
        %add3A_226 = arith.constant 1 : i32
        %add3A_227 = arith.addi %mul3A_215, %add3A_226 : i32
        %lt3A_228 = arith.cmpi slt, %add3A_227, %scan3A_19 : i32
        %slice3A_229 = vector.extract_strided_slice %get3A_209 {offsets = [1], sizes = [1], strides = [1]} : vector<16xi32> to vector<1xi32>
        %squeeze3A_230 = vector.extract %slice3A_229[0] : i32 from vector<1xi32>
        %slice3A_231 = vector.extract_strided_slice %get3A_213 {offsets = [1], sizes = [1], strides = [1]} : vector<16xi32> to vector<1xi32>
        %squeeze3A_232 = vector.extract %slice3A_231[0] : i32 from vector<1xi32>
        %convert_element_type3A_233 = arith.extui %lt3A_228 : i1 to i32
        %cond3A_234 = arith.constant 0 : i32
        %cond3A_235 = arith.cmpi ne, %convert_element_type3A_233, %cond3A_234 : i32
        scf.if %cond3A_235 {
          %dma_start3A_376 = arith.constant 512 : i32
          %dma_start3A_377 = tpu.memref_slice %arg5[%squeeze3A_230, %dma_start3A_376] : memref<65536x576xf32, #tpu.memory_space<hbm>> -> memref<1x64xf32, #tpu.memory_space<hbm>>
          %dma_start3A_378 = arith.constant 512 : i32
          %dma_start3A_379 = tpu.memref_slice %arg2[%squeeze3A_232, %dma_start3A_378] : memref<8192x576xf32, #tpu.memory_space<hbm>> -> memref<1x64xf32, #tpu.memory_space<hbm>>
          tpu.enqueue_dma source(%dma_start3A_379 : memref<1x64xf32, #tpu.memory_space<hbm>>) target(%dma_start3A_377 : memref<1x64xf32, #tpu.memory_space<hbm>>) target_semaphore(%arg17 : memref<!tpu.dma_semaphore, #tpu.memory_space<semaphore_mem>>)
        } else {
        }
        %add3A_236 = arith.constant 2 : i32
        %add3A_237 = arith.addi %mul3A_215, %add3A_236 : i32
        %lt3A_238 = arith.cmpi slt, %add3A_237, %scan3A_19 : i32
        %slice3A_239 = vector.extract_strided_slice %get3A_209 {offsets = [2], sizes = [1], strides = [1]} : vector<16xi32> to vector<1xi32>
        %squeeze3A_240 = vector.extract %slice3A_239[0] : i32 from vector<1xi32>
        %slice3A_241 = vector.extract_strided_slice %get3A_213 {offsets = [2], sizes = [1], strides = [1]} : vector<16xi32> to vector<1xi32>
        %squeeze3A_242 = vector.extract %slice3A_241[0] : i32 from vector<1xi32>
        %convert_element_type3A_243 = arith.extui %lt3A_238 : i1 to i32
        %cond3A_244 = arith.constant 0 : i32
        %cond3A_245 = arith.cmpi ne, %convert_element_type3A_243, %cond3A_244 : i32
        scf.if %cond3A_245 {
          %dma_start3A_376 = arith.constant 512 : i32
          %dma_start3A_377 = tpu.memref_slice %arg5[%squeeze3A_240, %dma_start3A_376] : memref<65536x576xf32, #tpu.memory_space<hbm>> -> memref<1x64xf32, #tpu.memory_space<hbm>>
          %dma_start3A_378 = arith.constant 512 : i32
          %dma_start3A_379 = tpu.memref_slice %arg2[%squeeze3A_242, %dma_start3A_378] : memref<8192x576xf32, #tpu.memory_space<hbm>> -> memref<1x64xf32, #tpu.memory_space<hbm>>
          tpu.enqueue_dma source(%dma_start3A_379 : memref<1x64xf32, #tpu.memory_space<hbm>>) target(%dma_start3A_377 : memref<1x64xf32, #tpu.memory_space<hbm>>) target_semaphore(%arg17 : memref<!tpu.dma_semaphore, #tpu.memory_space<semaphore_mem>>)
        } else {
        }
        %add3A_246 = arith.constant 3 : i32
        %add3A_247 = arith.addi %mul3A_215, %add3A_246 : i32
        %lt3A_248 = arith.cmpi slt, %add3A_247, %scan3A_19 : i32
        %slice3A_249 = vector.extract_strided_slice %get3A_209 {offsets = [3], sizes = [1], strides = [1]} : vector<16xi32> to vector<1xi32>
        %squeeze3A_250 = vector.extract %slice3A_249[0] : i32 from vector<1xi32>
        %slice3A_251 = vector.extract_strided_slice %get3A_213 {offsets = [3], sizes = [1], strides = [1]} : vector<16xi32> to vector<1xi32>
        %squeeze3A_252 = vector.extract %slice3A_251[0] : i32 from vector<1xi32>
        %convert_element_type3A_253 = arith.extui %lt3A_248 : i1 to i32
        %cond3A_254 = arith.constant 0 : i32
        %cond3A_255 = arith.cmpi ne, %convert_element_type3A_253, %cond3A_254 : i32
        scf.if %cond3A_255 {
          %dma_start3A_376 = arith.constant 512 : i32
          %dma_start3A_377 = tpu.memref_slice %arg5[%squeeze3A_250, %dma_start3A_376] : memref<65536x576xf32, #tpu.memory_space<hbm>> -> memref<1x64xf32, #tpu.memory_space<hbm>>
          %dma_start3A_378 = arith.constant 512 : i32
          %dma_start3A_379 = tpu.memref_slice %arg2[%squeeze3A_252, %dma_start3A_378] : memref<8192x576xf32, #tpu.memory_space<hbm>> -> memref<1x64xf32, #tpu.memory_space<hbm>>
          tpu.enqueue_dma source(%dma_start3A_379 : memref<1x64xf32, #tpu.memory_space<hbm>>) target(%dma_start3A_377 : memref<1x64xf32, #tpu.memory_space<hbm>>) target_semaphore(%arg17 : memref<!tpu.dma_semaphore, #tpu.memory_space<semaphore_mem>>)
        } else {
        }
        %add3A_256 = arith.constant 4 : i32
        %add3A_257 = arith.addi %mul3A_215, %add3A_256 : i32
        %lt3A_258 = arith.cmpi slt, %add3A_257, %scan3A_19 : i32
        %slice3A_259 = vector.extract_strided_slice %get3A_209 {offsets = [4], sizes = [1], strides = [1]} : vector<16xi32> to vector<1xi32>
        %squeeze3A_260 = vector.extract %slice3A_259[0] : i32 from vector<1xi32>
        %slice3A_261 = vector.extract_strided_slice %get3A_213 {offsets = [4], sizes = [1], strides = [1]} : vector<16xi32> to vector<1xi32>
        %squeeze3A_262 = vector.extract %slice3A_261[0] : i32 from vector<1xi32>
        %convert_element_type3A_263 = arith.extui %lt3A_258 : i1 to i32
        %cond3A_264 = arith.constant 0 : i32
        %cond3A_265 = arith.cmpi ne, %convert_element_type3A_263, %cond3A_264 : i32
        scf.if %cond3A_265 {
          %dma_start3A_376 = arith.constant 512 : i32
          %dma_start3A_377 = tpu.memref_slice %arg5[%squeeze3A_260, %dma_start3A_376] : memref<65536x576xf32, #tpu.memory_space<hbm>> -> memref<1x64xf32, #tpu.memory_space<hbm>>
          %dma_start3A_378 = arith.constant 512 : i32
          %dma_start3A_379 = tpu.memref_slice %arg2[%squeeze3A_262, %dma_start3A_378] : memref<8192x576xf32, #tpu.memory_space<hbm>> -> memref<1x64xf32, #tpu.memory_space<hbm>>
          tpu.enqueue_dma source(%dma_start3A_379 : memref<1x64xf32, #tpu.memory_space<hbm>>) target(%dma_start3A_377 : memref<1x64xf32, #tpu.memory_space<hbm>>) target_semaphore(%arg17 : memref<!tpu.dma_semaphore, #tpu.memory_space<semaphore_mem>>)
        } else {
        }
        %add3A_266 = arith.constant 5 : i32
        %add3A_267 = arith.addi %mul3A_215, %add3A_266 : i32
        %lt3A_268 = arith.cmpi slt, %add3A_267, %scan3A_19 : i32
        %slice3A_269 = vector.extract_strided_slice %get3A_209 {offsets = [5], sizes = [1], strides = [1]} : vector<16xi32> to vector<1xi32>
        %squeeze3A_270 = vector.extract %slice3A_269[0] : i32 from vector<1xi32>
        %slice3A_271 = vector.extract_strided_slice %get3A_213 {offsets = [5], sizes = [1], strides = [1]} : vector<16xi32> to vector<1xi32>
        %squeeze3A_272 = vector.extract %slice3A_271[0] : i32 from vector<1xi32>
        %convert_element_type3A_273 = arith.extui %lt3A_268 : i1 to i32
        %cond3A_274 = arith.constant 0 : i32
        %cond3A_275 = arith.cmpi ne, %convert_element_type3A_273, %cond3A_274 : i32
        scf.if %cond3A_275 {
          %dma_start3A_376 = arith.constant 512 : i32
          %dma_start3A_377 = tpu.memref_slice %arg5[%squeeze3A_270, %dma_start3A_376] : memref<65536x576xf32, #tpu.memory_space<hbm>> -> memref<1x64xf32, #tpu.memory_space<hbm>>
          %dma_start3A_378 = arith.constant 512 : i32
          %dma_start3A_379 = tpu.memref_slice %arg2[%squeeze3A_272, %dma_start3A_378] : memref<8192x576xf32, #tpu.memory_space<hbm>> -> memref<1x64xf32, #tpu.memory_space<hbm>>
          tpu.enqueue_dma source(%dma_start3A_379 : memref<1x64xf32, #tpu.memory_space<hbm>>) target(%dma_start3A_377 : memref<1x64xf32, #tpu.memory_space<hbm>>) target_semaphore(%arg17 : memref<!tpu.dma_semaphore, #tpu.memory_space<semaphore_mem>>)
        } else {
        }
        %add3A_276 = arith.constant 6 : i32
        %add3A_277 = arith.addi %mul3A_215, %add3A_276 : i32
        %lt3A_278 = arith.cmpi slt, %add3A_277, %scan3A_19 : i32
        %slice3A_279 = vector.extract_strided_slice %get3A_209 {offsets = [6], sizes = [1], strides = [1]} : vector<16xi32> to vector<1xi32>
        %squeeze3A_280 = vector.extract %slice3A_279[0] : i32 from vector<1xi32>
        %slice3A_281 = vector.extract_strided_slice %get3A_213 {offsets = [6], sizes = [1], strides = [1]} : vector<16xi32> to vector<1xi32>
        %squeeze3A_282 = vector.extract %slice3A_281[0] : i32 from vector<1xi32>
        %convert_element_type3A_283 = arith.extui %lt3A_278 : i1 to i32
        %cond3A_284 = arith.constant 0 : i32
        %cond3A_285 = arith.cmpi ne, %convert_element_type3A_283, %cond3A_284 : i32
        scf.if %cond3A_285 {
          %dma_start3A_376 = arith.constant 512 : i32
          %dma_start3A_377 = tpu.memref_slice %arg5[%squeeze3A_280, %dma_start3A_376] : memref<65536x576xf32, #tpu.memory_space<hbm>> -> memref<1x64xf32, #tpu.memory_space<hbm>>
          %dma_start3A_378 = arith.constant 512 : i32
          %dma_start3A_379 = tpu.memref_slice %arg2[%squeeze3A_282, %dma_start3A_378] : memref<8192x576xf32, #tpu.memory_space<hbm>> -> memref<1x64xf32, #tpu.memory_space<hbm>>
          tpu.enqueue_dma source(%dma_start3A_379 : memref<1x64xf32, #tpu.memory_space<hbm>>) target(%dma_start3A_377 : memref<1x64xf32, #tpu.memory_space<hbm>>) target_semaphore(%arg17 : memref<!tpu.dma_semaphore, #tpu.memory_space<semaphore_mem>>)
        } else {
        }
        %add3A_286 = arith.constant 7 : i32
        %add3A_287 = arith.addi %mul3A_215, %add3A_286 : i32
        %lt3A_288 = arith.cmpi slt, %add3A_287, %scan3A_19 : i32
        %slice3A_289 = vector.extract_strided_slice %get3A_209 {offsets = [7], sizes = [1], strides = [1]} : vector<16xi32> to vector<1xi32>
        %squeeze3A_290 = vector.extract %slice3A_289[0] : i32 from vector<1xi32>
        %slice3A_291 = vector.extract_strided_slice %get3A_213 {offsets = [7], sizes = [1], strides = [1]} : vector<16xi32> to vector<1xi32>
        %squeeze3A_292 = vector.extract %slice3A_291[0] : i32 from vector<1xi32>
        %convert_element_type3A_293 = arith.extui %lt3A_288 : i1 to i32
        %cond3A_294 = arith.constant 0 : i32
        %cond3A_295 = arith.cmpi ne, %convert_element_type3A_293, %cond3A_294 : i32
        scf.if %cond3A_295 {
          %dma_start3A_376 = arith.constant 512 : i32
          %dma_start3A_377 = tpu.memref_slice %arg5[%squeeze3A_290, %dma_start3A_376] : memref<65536x576xf32, #tpu.memory_space<hbm>> -> memref<1x64xf32, #tpu.memory_space<hbm>>
          %dma_start3A_378 = arith.constant 512 : i32
          %dma_start3A_379 = tpu.memref_slice %arg2[%squeeze3A_292, %dma_start3A_378] : memref<8192x576xf32, #tpu.memory_space<hbm>> -> memref<1x64xf32, #tpu.memory_space<hbm>>
          tpu.enqueue_dma source(%dma_start3A_379 : memref<1x64xf32, #tpu.memory_space<hbm>>) target(%dma_start3A_377 : memref<1x64xf32, #tpu.memory_space<hbm>>) target_semaphore(%arg17 : memref<!tpu.dma_semaphore, #tpu.memory_space<semaphore_mem>>)
        } else {
        }
        %add3A_296 = arith.constant 8 : i32
        %add3A_297 = arith.addi %mul3A_215, %add3A_296 : i32
        %lt3A_298 = arith.cmpi slt, %add3A_297, %scan3A_19 : i32
        %slice3A_299 = vector.extract_strided_slice %get3A_209 {offsets = [8], sizes = [1], strides = [1]} : vector<16xi32> to vector<1xi32>
        %squeeze3A_300 = vector.extract %slice3A_299[0] : i32 from vector<1xi32>
        %slice3A_301 = vector.extract_strided_slice %get3A_213 {offsets = [8], sizes = [1], strides = [1]} : vector<16xi32> to vector<1xi32>
        %squeeze3A_302 = vector.extract %slice3A_301[0] : i32 from vector<1xi32>
        %convert_element_type3A_303 = arith.extui %lt3A_298 : i1 to i32
        %cond3A_304 = arith.constant 0 : i32
        %cond3A_305 = arith.cmpi ne, %convert_element_type3A_303, %cond3A_304 : i32
        scf.if %cond3A_305 {
          %dma_start3A_376 = arith.constant 512 : i32
          %dma_start3A_377 = tpu.memref_slice %arg5[%squeeze3A_300, %dma_start3A_376] : memref<65536x576xf32, #tpu.memory_space<hbm>> -> memref<1x64xf32, #tpu.memory_space<hbm>>
          %dma_start3A_378 = arith.constant 512 : i32
          %dma_start3A_379 = tpu.memref_slice %arg2[%squeeze3A_302, %dma_start3A_378] : memref<8192x576xf32, #tpu.memory_space<hbm>> -> memref<1x64xf32, #tpu.memory_space<hbm>>
          tpu.enqueue_dma source(%dma_start3A_379 : memref<1x64xf32, #tpu.memory_space<hbm>>) target(%dma_start3A_377 : memref<1x64xf32, #tpu.memory_space<hbm>>) target_semaphore(%arg17 : memref<!tpu.dma_semaphore, #tpu.memory_space<semaphore_mem>>)
        } else {
        }
        %add3A_306 = arith.constant 9 : i32
        %add3A_307 = arith.addi %mul3A_215, %add3A_306 : i32
        %lt3A_308 = arith.cmpi slt, %add3A_307, %scan3A_19 : i32
        %slice3A_309 = vector.extract_strided_slice %get3A_209 {offsets = [9], sizes = [1], strides = [1]} : vector<16xi32> to vector<1xi32>
        %squeeze3A_310 = vector.extract %slice3A_309[0] : i32 from vector<1xi32>
        %slice3A_311 = vector.extract_strided_slice %get3A_213 {offsets = [9], sizes = [1], strides = [1]} : vector<16xi32> to vector<1xi32>
        %squeeze3A_312 = vector.extract %slice3A_311[0] : i32 from vector<1xi32>
        %convert_element_type3A_313 = arith.extui %lt3A_308 : i1 to i32
        %cond3A_314 = arith.constant 0 : i32
        %cond3A_315 = arith.cmpi ne, %convert_element_type3A_313, %cond3A_314 : i32
        scf.if %cond3A_315 {
          %dma_start3A_376 = arith.constant 512 : i32
          %dma_start3A_377 = tpu.memref_slice %arg5[%squeeze3A_310, %dma_start3A_376] : memref<65536x576xf32, #tpu.memory_space<hbm>> -> memref<1x64xf32, #tpu.memory_space<hbm>>
          %dma_start3A_378 = arith.constant 512 : i32
          %dma_start3A_379 = tpu.memref_slice %arg2[%squeeze3A_312, %dma_start3A_378] : memref<8192x576xf32, #tpu.memory_space<hbm>> -> memref<1x64xf32, #tpu.memory_space<hbm>>
          tpu.enqueue_dma source(%dma_start3A_379 : memref<1x64xf32, #tpu.memory_space<hbm>>) target(%dma_start3A_377 : memref<1x64xf32, #tpu.memory_space<hbm>>) target_semaphore(%arg17 : memref<!tpu.dma_semaphore, #tpu.memory_space<semaphore_mem>>)
        } else {
        }
        %add3A_316 = arith.constant 10 : i32
        %add3A_317 = arith.addi %mul3A_215, %add3A_316 : i32
        %lt3A_318 = arith.cmpi slt, %add3A_317, %scan3A_19 : i32
        %slice3A_319 = vector.extract_strided_slice %get3A_209 {offsets = [10], sizes = [1], strides = [1]} : vector<16xi32> to vector<1xi32>
        %squeeze3A_320 = vector.extract %slice3A_319[0] : i32 from vector<1xi32>
        %slice3A_321 = vector.extract_strided_slice %get3A_213 {offsets = [10], sizes = [1], strides = [1]} : vector<16xi32> to vector<1xi32>
        %squeeze3A_322 = vector.extract %slice3A_321[0] : i32 from vector<1xi32>
        %convert_element_type3A_323 = arith.extui %lt3A_318 : i1 to i32
        %cond3A_324 = arith.constant 0 : i32
        %cond3A_325 = arith.cmpi ne, %convert_element_type3A_323, %cond3A_324 : i32
        scf.if %cond3A_325 {
          %dma_start3A_376 = arith.constant 512 : i32
          %dma_start3A_377 = tpu.memref_slice %arg5[%squeeze3A_320, %dma_start3A_376] : memref<65536x576xf32, #tpu.memory_space<hbm>> -> memref<1x64xf32, #tpu.memory_space<hbm>>
          %dma_start3A_378 = arith.constant 512 : i32
          %dma_start3A_379 = tpu.memref_slice %arg2[%squeeze3A_322, %dma_start3A_378] : memref<8192x576xf32, #tpu.memory_space<hbm>> -> memref<1x64xf32, #tpu.memory_space<hbm>>
          tpu.enqueue_dma source(%dma_start3A_379 : memref<1x64xf32, #tpu.memory_space<hbm>>) target(%dma_start3A_377 : memref<1x64xf32, #tpu.memory_space<hbm>>) target_semaphore(%arg17 : memref<!tpu.dma_semaphore, #tpu.memory_space<semaphore_mem>>)
        } else {
        }
        %add3A_326 = arith.constant 11 : i32
        %add3A_327 = arith.addi %mul3A_215, %add3A_326 : i32
        %lt3A_328 = arith.cmpi slt, %add3A_327, %scan3A_19 : i32
        %slice3A_329 = vector.extract_strided_slice %get3A_209 {offsets = [11], sizes = [1], strides = [1]} : vector<16xi32> to vector<1xi32>
        %squeeze3A_330 = vector.extract %slice3A_329[0] : i32 from vector<1xi32>
        %slice3A_331 = vector.extract_strided_slice %get3A_213 {offsets = [11], sizes = [1], strides = [1]} : vector<16xi32> to vector<1xi32>
        %squeeze3A_332 = vector.extract %slice3A_331[0] : i32 from vector<1xi32>
        %convert_element_type3A_333 = arith.extui %lt3A_328 : i1 to i32
        %cond3A_334 = arith.constant 0 : i32
        %cond3A_335 = arith.cmpi ne, %convert_element_type3A_333, %cond3A_334 : i32
        scf.if %cond3A_335 {
          %dma_start3A_376 = arith.constant 512 : i32
          %dma_start3A_377 = tpu.memref_slice %arg5[%squeeze3A_330, %dma_start3A_376] : memref<65536x576xf32, #tpu.memory_space<hbm>> -> memref<1x64xf32, #tpu.memory_space<hbm>>
          %dma_start3A_378 = arith.constant 512 : i32
          %dma_start3A_379 = tpu.memref_slice %arg2[%squeeze3A_332, %dma_start3A_378] : memref<8192x576xf32, #tpu.memory_space<hbm>> -> memref<1x64xf32, #tpu.memory_space<hbm>>
          tpu.enqueue_dma source(%dma_start3A_379 : memref<1x64xf32, #tpu.memory_space<hbm>>) target(%dma_start3A_377 : memref<1x64xf32, #tpu.memory_space<hbm>>) target_semaphore(%arg17 : memref<!tpu.dma_semaphore, #tpu.memory_space<semaphore_mem>>)
        } else {
        }
        %add3A_336 = arith.constant 12 : i32
        %add3A_337 = arith.addi %mul3A_215, %add3A_336 : i32
        %lt3A_338 = arith.cmpi slt, %add3A_337, %scan3A_19 : i32
        %slice3A_339 = vector.extract_strided_slice %get3A_209 {offsets = [12], sizes = [1], strides = [1]} : vector<16xi32> to vector<1xi32>
        %squeeze3A_340 = vector.extract %slice3A_339[0] : i32 from vector<1xi32>
        %slice3A_341 = vector.extract_strided_slice %get3A_213 {offsets = [12], sizes = [1], strides = [1]} : vector<16xi32> to vector<1xi32>
        %squeeze3A_342 = vector.extract %slice3A_341[0] : i32 from vector<1xi32>
        %convert_element_type3A_343 = arith.extui %lt3A_338 : i1 to i32
        %cond3A_344 = arith.constant 0 : i32
        %cond3A_345 = arith.cmpi ne, %convert_element_type3A_343, %cond3A_344 : i32
        scf.if %cond3A_345 {
          %dma_start3A_376 = arith.constant 512 : i32
          %dma_start3A_377 = tpu.memref_slice %arg5[%squeeze3A_340, %dma_start3A_376] : memref<65536x576xf32, #tpu.memory_space<hbm>> -> memref<1x64xf32, #tpu.memory_space<hbm>>
          %dma_start3A_378 = arith.constant 512 : i32
          %dma_start3A_379 = tpu.memref_slice %arg2[%squeeze3A_342, %dma_start3A_378] : memref<8192x576xf32, #tpu.memory_space<hbm>> -> memref<1x64xf32, #tpu.memory_space<hbm>>
          tpu.enqueue_dma source(%dma_start3A_379 : memref<1x64xf32, #tpu.memory_space<hbm>>) target(%dma_start3A_377 : memref<1x64xf32, #tpu.memory_space<hbm>>) target_semaphore(%arg17 : memref<!tpu.dma_semaphore, #tpu.memory_space<semaphore_mem>>)
        } else {
        }
        %add3A_346 = arith.constant 13 : i32
        %add3A_347 = arith.addi %mul3A_215, %add3A_346 : i32
        %lt3A_348 = arith.cmpi slt, %add3A_347, %scan3A_19 : i32
        %slice3A_349 = vector.extract_strided_slice %get3A_209 {offsets = [13], sizes = [1], strides = [1]} : vector<16xi32> to vector<1xi32>
        %squeeze3A_350 = vector.extract %slice3A_349[0] : i32 from vector<1xi32>
        %slice3A_351 = vector.extract_strided_slice %get3A_213 {offsets = [13], sizes = [1], strides = [1]} : vector<16xi32> to vector<1xi32>
        %squeeze3A_352 = vector.extract %slice3A_351[0] : i32 from vector<1xi32>
        %convert_element_type3A_353 = arith.extui %lt3A_348 : i1 to i32
        %cond3A_354 = arith.constant 0 : i32
        %cond3A_355 = arith.cmpi ne, %convert_element_type3A_353, %cond3A_354 : i32
        scf.if %cond3A_355 {
          %dma_start3A_376 = arith.constant 512 : i32
          %dma_start3A_377 = tpu.memref_slice %arg5[%squeeze3A_350, %dma_start3A_376] : memref<65536x576xf32, #tpu.memory_space<hbm>> -> memref<1x64xf32, #tpu.memory_space<hbm>>
          %dma_start3A_378 = arith.constant 512 : i32
          %dma_start3A_379 = tpu.memref_slice %arg2[%squeeze3A_352, %dma_start3A_378] : memref<8192x576xf32, #tpu.memory_space<hbm>> -> memref<1x64xf32, #tpu.memory_space<hbm>>
          tpu.enqueue_dma source(%dma_start3A_379 : memref<1x64xf32, #tpu.memory_space<hbm>>) target(%dma_start3A_377 : memref<1x64xf32, #tpu.memory_space<hbm>>) target_semaphore(%arg17 : memref<!tpu.dma_semaphore, #tpu.memory_space<semaphore_mem>>)
        } else {
        }
        %add3A_356 = arith.constant 14 : i32
        %add3A_357 = arith.addi %mul3A_215, %add3A_356 : i32
        %lt3A_358 = arith.cmpi slt, %add3A_357, %scan3A_19 : i32
        %slice3A_359 = vector.extract_strided_slice %get3A_209 {offsets = [14], sizes = [1], strides = [1]} : vector<16xi32> to vector<1xi32>
        %squeeze3A_360 = vector.extract %slice3A_359[0] : i32 from vector<1xi32>
        %slice3A_361 = vector.extract_strided_slice %get3A_213 {offsets = [14], sizes = [1], strides = [1]} : vector<16xi32> to vector<1xi32>
        %squeeze3A_362 = vector.extract %slice3A_361[0] : i32 from vector<1xi32>
        %convert_element_type3A_363 = arith.extui %lt3A_358 : i1 to i32
        %cond3A_364 = arith.constant 0 : i32
        %cond3A_365 = arith.cmpi ne, %convert_element_type3A_363, %cond3A_364 : i32
        scf.if %cond3A_365 {
          %dma_start3A_376 = arith.constant 512 : i32
          %dma_start3A_377 = tpu.memref_slice %arg5[%squeeze3A_360, %dma_start3A_376] : memref<65536x576xf32, #tpu.memory_space<hbm>> -> memref<1x64xf32, #tpu.memory_space<hbm>>
          %dma_start3A_378 = arith.constant 512 : i32
          %dma_start3A_379 = tpu.memref_slice %arg2[%squeeze3A_362, %dma_start3A_378] : memref<8192x576xf32, #tpu.memory_space<hbm>> -> memref<1x64xf32, #tpu.memory_space<hbm>>
          tpu.enqueue_dma source(%dma_start3A_379 : memref<1x64xf32, #tpu.memory_space<hbm>>) target(%dma_start3A_377 : memref<1x64xf32, #tpu.memory_space<hbm>>) target_semaphore(%arg17 : memref<!tpu.dma_semaphore, #tpu.memory_space<semaphore_mem>>)
        } else {
        }
        %add3A_366 = arith.constant 15 : i32
        %add3A_367 = arith.addi %mul3A_215, %add3A_366 : i32
        %lt3A_368 = arith.cmpi slt, %add3A_367, %scan3A_19 : i32
        %slice3A_369 = vector.extract_strided_slice %get3A_209 {offsets = [15], sizes = [1], strides = [1]} : vector<16xi32> to vector<1xi32>
        %squeeze3A_370 = vector.extract %slice3A_369[0] : i32 from vector<1xi32>
        %slice3A_371 = vector.extract_strided_slice %get3A_213 {offsets = [15], sizes = [1], strides = [1]} : vector<16xi32> to vector<1xi32>
        %squeeze3A_372 = vector.extract %slice3A_371[0] : i32 from vector<1xi32>
        %convert_element_type3A_373 = arith.extui %lt3A_368 : i1 to i32
        %cond3A_374 = arith.constant 0 : i32
        %cond3A_375 = arith.cmpi ne, %convert_element_type3A_373, %cond3A_374 : i32
        scf.if %cond3A_375 {
          %dma_start3A_376 = arith.constant 512 : i32
          %dma_start3A_377 = tpu.memref_slice %arg5[%squeeze3A_370, %dma_start3A_376] : memref<65536x576xf32, #tpu.memory_space<hbm>> -> memref<1x64xf32, #tpu.memory_space<hbm>>
          %dma_start3A_378 = arith.constant 512 : i32
          %dma_start3A_379 = tpu.memref_slice %arg2[%squeeze3A_372, %dma_start3A_378] : memref<8192x576xf32, #tpu.memory_space<hbm>> -> memref<1x64xf32, #tpu.memory_space<hbm>>
          tpu.enqueue_dma source(%dma_start3A_379 : memref<1x64xf32, #tpu.memory_space<hbm>>) target(%dma_start3A_377 : memref<1x64xf32, #tpu.memory_space<hbm>>) target_semaphore(%arg17 : memref<!tpu.dma_semaphore, #tpu.memory_space<semaphore_mem>>)
        } else {
        }
      }
      %while3A_150 = arith.constant 1 : i32
      scf.for %while3A_205 = %while3A_148 to %while3A_144 step %while3A_150  : i32 {
        %mul3A_206 = arith.constant 16 : i32
        %mul3A_207 = arith.muli %while3A_205, %mul3A_206 : i32
        %get3A_208 = arith.index_cast %mul3A_207 : i32 to index
        %get3A_209 = tpu.vector_load %arg11[%get3A_208] {strides = array<i32>} : memref<2048xi32, #tpu.memory_space<vmem>>, vector<16xi32>,
        %mul3A_210 = arith.constant 16 : i32
        %mul3A_211 = arith.muli %while3A_205, %mul3A_210 : i32
        %get3A_212 = arith.index_cast %mul3A_211 : i32 to index
        %get3A_213 = tpu.vector_load %arg10[%get3A_212] {strides = array<i32>} : memref<2048xi32, #tpu.memory_space<vmem>>, vector<16xi32>,
        %mul3A_214 = arith.constant 16 : i32
        %mul3A_215 = arith.muli %while3A_205, %mul3A_214 : i32
        %add3A_216 = arith.constant 0 : i32
        %add3A_217 = arith.addi %mul3A_215, %add3A_216 : i32
        %lt3A_218 = arith.cmpi slt, %add3A_217, %scan3A_19 : i32
        %slice3A_219 = vector.extract_strided_slice %get3A_209 {offsets = [0], sizes = [1], strides = [1]} : vector<16xi32> to vector<1xi32>
        %squeeze3A_220 = vector.extract %slice3A_219[0] : i32 from vector<1xi32>
        %slice3A_221 = vector.extract_strided_slice %get3A_213 {offsets = [0], sizes = [1], strides = [1]} : vector<16xi32> to vector<1xi32>
        %squeeze3A_222 = vector.extract %slice3A_221[0] : i32 from vector<1xi32>
        %convert_element_type3A_223 = arith.extui %lt3A_218 : i1 to i32
        %cond3A_224 = arith.constant 0 : i32
        %cond3A_225 = arith.cmpi ne, %convert_element_type3A_223, %cond3A_224 : i32
        scf.if %cond3A_225 {
          %dma_start3A_376 = arith.constant 512 : i32
          %dma_start3A_377 = tpu.memref_slice %arg5[%squeeze3A_220, %dma_start3A_376] : memref<65536x576xf32, #tpu.memory_space<hbm>> -> memref<1x64xf32, #tpu.memory_space<hbm>>
          %dma_start3A_378 = arith.constant 512 : i32
          %dma_start3A_379 = tpu.memref_slice %arg2[%squeeze3A_222, %dma_start3A_378] : memref<8192x576xf32, #tpu.memory_space<hbm>> -> memref<1x64xf32, #tpu.memory_space<hbm>>
          tpu.enqueue_dma source(%dma_start3A_379 : memref<1x64xf32, #tpu.memory_space<hbm>>) target(%dma_start3A_377 : memref<1x64xf32, #tpu.memory_space<hbm>>) target_semaphore(%arg17 : memref<!tpu.dma_semaphore, #tpu.memory_space<semaphore_mem>>)
        } else {
        }
        %add3A_226 = arith.constant 1 : i32
        %add3A_227 = arith.addi %mul3A_215, %add3A_226 : i32
        %lt3A_228 = arith.cmpi slt, %add3A_227, %scan3A_19 : i32
        %slice3A_229 = vector.extract_strided_slice %get3A_209 {offsets = [1], sizes = [1], strides = [1]} : vector<16xi32> to vector<1xi32>
        %squeeze3A_230 = vector.extract %slice3A_229[0] : i32 from vector<1xi32>
        %slice3A_231 = vector.extract_strided_slice %get3A_213 {offsets = [1], sizes = [1], strides = [1]} : vector<16xi32> to vector<1xi32>
        %squeeze3A_232 = vector.extract %slice3A_231[0] : i32 from vector<1xi32>
        %convert_element_type3A_233 = arith.extui %lt3A_228 : i1 to i32
        %cond3A_234 = arith.constant 0 : i32
        %cond3A_235 = arith.cmpi ne, %convert_element_type3A_233, %cond3A_234 : i32
        scf.if %cond3A_235 {
          %dma_start3A_376 = arith.constant 512 : i32
          %dma_start3A_377 = tpu.memref_slice %arg5[%squeeze3A_230, %dma_start3A_376] : memref<65536x576xf32, #tpu.memory_space<hbm>> -> memref<1x64xf32, #tpu.memory_space<hbm>>
          %dma_start3A_378 = arith.constant 512 : i32
          %dma_start3A_379 = tpu.memref_slice %arg2[%squeeze3A_232, %dma_start3A_378] : memref<8192x576xf32, #tpu.memory_space<hbm>> -> memref<1x64xf32, #tpu.memory_space<hbm>>
          tpu.enqueue_dma source(%dma_start3A_379 : memref<1x64xf32, #tpu.memory_space<hbm>>) target(%dma_start3A_377 : memref<1x64xf32, #tpu.memory_space<hbm>>) target_semaphore(%arg17 : memref<!tpu.dma_semaphore, #tpu.memory_space<semaphore_mem>>)
        } else {
        }
        %add3A_236 = arith.constant 2 : i32
        %add3A_237 = arith.addi %mul3A_215, %add3A_236 : i32
        %lt3A_238 = arith.cmpi slt, %add3A_237, %scan3A_19 : i32
        %slice3A_239 = vector.extract_strided_slice %get3A_209 {offsets = [2], sizes = [1], strides = [1]} : vector<16xi32> to vector<1xi32>
        %squeeze3A_240 = vector.extract %slice3A_239[0] : i32 from vector<1xi32>
        %slice3A_241 = vector.extract_strided_slice %get3A_213 {offsets = [2], sizes = [1], strides = [1]} : vector<16xi32> to vector<1xi32>
        %squeeze3A_242 = vector.extract %slice3A_241[0] : i32 from vector<1xi32>
        %convert_element_type3A_243 = arith.extui %lt3A_238 : i1 to i32
        %cond3A_244 = arith.constant 0 : i32
        %cond3A_245 = arith.cmpi ne, %convert_element_type3A_243, %cond3A_244 : i32
        scf.if %cond3A_245 {
          %dma_start3A_376 = arith.constant 512 : i32
          %dma_start3A_377 = tpu.memref_slice %arg5[%squeeze3A_240, %dma_start3A_376] : memref<65536x576xf32, #tpu.memory_space<hbm>> -> memref<1x64xf32, #tpu.memory_space<hbm>>
          %dma_start3A_378 = arith.constant 512 : i32
          %dma_start3A_379 = tpu.memref_slice %arg2[%squeeze3A_242, %dma_start3A_378] : memref<8192x576xf32, #tpu.memory_space<hbm>> -> memref<1x64xf32, #tpu.memory_space<hbm>>
          tpu.enqueue_dma source(%dma_start3A_379 : memref<1x64xf32, #tpu.memory_space<hbm>>) target(%dma_start3A_377 : memref<1x64xf32, #tpu.memory_space<hbm>>) target_semaphore(%arg17 : memref<!tpu.dma_semaphore, #tpu.memory_space<semaphore_mem>>)
        } else {
        }
        %add3A_246 = arith.constant 3 : i32
        %add3A_247 = arith.addi %mul3A_215, %add3A_246 : i32
        %lt3A_248 = arith.cmpi slt, %add3A_247, %scan3A_19 : i32
        %slice3A_249 = vector.extract_strided_slice %get3A_209 {offsets = [3], sizes = [1], strides = [1]} : vector<16xi32> to vector<1xi32>
        %squeeze3A_250 = vector.extract %slice3A_249[0] : i32 from vector<1xi32>
        %slice3A_251 = vector.extract_strided_slice %get3A_213 {offsets = [3], sizes = [1], strides = [1]} : vector<16xi32> to vector<1xi32>
        %squeeze3A_252 = vector.extract %slice3A_251[0] : i32 from vector<1xi32>
        %convert_element_type3A_253 = arith.extui %lt3A_248 : i1 to i32
        %cond3A_254 = arith.constant 0 : i32
        %cond3A_255 = arith.cmpi ne, %convert_element_type3A_253, %cond3A_254 : i32
        scf.if %cond3A_255 {
          %dma_start3A_376 = arith.constant 512 : i32
          %dma_start3A_377 = tpu.memref_slice %arg5[%squeeze3A_250, %dma_start3A_376] : memref<65536x576xf32, #tpu.memory_space<hbm>> -> memref<1x64xf32, #tpu.memory_space<hbm>>
          %dma_start3A_378 = arith.constant 512 : i32
          %dma_start3A_379 = tpu.memref_slice %arg2[%squeeze3A_252, %dma_start3A_378] : memref<8192x576xf32, #tpu.memory_space<hbm>> -> memref<1x64xf32, #tpu.memory_space<hbm>>
          tpu.enqueue_dma source(%dma_start3A_379 : memref<1x64xf32, #tpu.memory_space<hbm>>) target(%dma_start3A_377 : memref<1x64xf32, #tpu.memory_space<hbm>>) target_semaphore(%arg17 : memref<!tpu.dma_semaphore, #tpu.memory_space<semaphore_mem>>)
        } else {
        }
        %add3A_256 = arith.constant 4 : i32
        %add3A_257 = arith.addi %mul3A_215, %add3A_256 : i32
        %lt3A_258 = arith.cmpi slt, %add3A_257, %scan3A_19 : i32
        %slice3A_259 = vector.extract_strided_slice %get3A_209 {offsets = [4], sizes = [1], strides = [1]} : vector<16xi32> to vector<1xi32>
        %squeeze3A_260 = vector.extract %slice3A_259[0] : i32 from vector<1xi32>
        %slice3A_261 = vector.extract_strided_slice %get3A_213 {offsets = [4], sizes = [1], strides = [1]} : vector<16xi32> to vector<1xi32>
        %squeeze3A_262 = vector.extract %slice3A_261[0] : i32 from vector<1xi32>
        %convert_element_type3A_263 = arith.extui %lt3A_258 : i1 to i32
        %cond3A_264 = arith.constant 0 : i32
        %cond3A_265 = arith.cmpi ne, %convert_element_type3A_263, %cond3A_264 : i32
        scf.if %cond3A_265 {
          %dma_start3A_376 = arith.constant 512 : i32
          %dma_start3A_377 = tpu.memref_slice %arg5[%squeeze3A_260, %dma_start3A_376] : memref<65536x576xf32, #tpu.memory_space<hbm>> -> memref<1x64xf32, #tpu.memory_space<hbm>>
          %dma_start3A_378 = arith.constant 512 : i32
          %dma_start3A_379 = tpu.memref_slice %arg2[%squeeze3A_262, %dma_start3A_378] : memref<8192x576xf32, #tpu.memory_space<hbm>> -> memref<1x64xf32, #tpu.memory_space<hbm>>
          tpu.enqueue_dma source(%dma_start3A_379 : memref<1x64xf32, #tpu.memory_space<hbm>>) target(%dma_start3A_377 : memref<1x64xf32, #tpu.memory_space<hbm>>) target_semaphore(%arg17 : memref<!tpu.dma_semaphore, #tpu.memory_space<semaphore_mem>>)
        } else {
        }
        %add3A_266 = arith.constant 5 : i32
        %add3A_267 = arith.addi %mul3A_215, %add3A_266 : i32
        %lt3A_268 = arith.cmpi slt, %add3A_267, %scan3A_19 : i32
        %slice3A_269 = vector.extract_strided_slice %get3A_209 {offsets = [5], sizes = [1], strides = [1]} : vector<16xi32> to vector<1xi32>
        %squeeze3A_270 = vector.extract %slice3A_269[0] : i32 from vector<1xi32>
        %slice3A_271 = vector.extract_strided_slice %get3A_213 {offsets = [5], sizes = [1], strides = [1]} : vector<16xi32> to vector<1xi32>
        %squeeze3A_272 = vector.extract %slice3A_271[0] : i32 from vector<1xi32>
        %convert_element_type3A_273 = arith.extui %lt3A_268 : i1 to i32
        %cond3A_274 = arith.constant 0 : i32
        %cond3A_275 = arith.cmpi ne, %convert_element_type3A_273, %cond3A_274 : i32
        scf.if %cond3A_275 {
          %dma_start3A_376 = arith.constant 512 : i32
          %dma_start3A_377 = tpu.memref_slice %arg5[%squeeze3A_270, %dma_start3A_376] : memref<65536x576xf32, #tpu.memory_space<hbm>> -> memref<1x64xf32, #tpu.memory_space<hbm>>
          %dma_start3A_378 = arith.constant 512 : i32
          %dma_start3A_379 = tpu.memref_slice %arg2[%squeeze3A_272, %dma_start3A_378] : memref<8192x576xf32, #tpu.memory_space<hbm>> -> memref<1x64xf32, #tpu.memory_space<hbm>>
          tpu.enqueue_dma source(%dma_start3A_379 : memref<1x64xf32, #tpu.memory_space<hbm>>) target(%dma_start3A_377 : memref<1x64xf32, #tpu.memory_space<hbm>>) target_semaphore(%arg17 : memref<!tpu.dma_semaphore, #tpu.memory_space<semaphore_mem>>)
        } else {
        }
        %add3A_276 = arith.constant 6 : i32
        %add3A_277 = arith.addi %mul3A_215, %add3A_276 : i32
        %lt3A_278 = arith.cmpi slt, %add3A_277, %scan3A_19 : i32
        %slice3A_279 = vector.extract_strided_slice %get3A_209 {offsets = [6], sizes = [1], strides = [1]} : vector<16xi32> to vector<1xi32>
        %squeeze3A_280 = vector.extract %slice3A_279[0] : i32 from vector<1xi32>
        %slice3A_281 = vector.extract_strided_slice %get3A_213 {offsets = [6], sizes = [1], strides = [1]} : vector<16xi32> to vector<1xi32>
        %squeeze3A_282 = vector.extract %slice3A_281[0] : i32 from vector<1xi32>
        %convert_element_type3A_283 = arith.extui %lt3A_278 : i1 to i32
        %cond3A_284 = arith.constant 0 : i32
        %cond3A_285 = arith.cmpi ne, %convert_element_type3A_283, %cond3A_284 : i32
        scf.if %cond3A_285 {
          %dma_start3A_376 = arith.constant 512 : i32
          %dma_start3A_377 = tpu.memref_slice %arg5[%squeeze3A_280, %dma_start3A_376] : memref<65536x576xf32, #tpu.memory_space<hbm>> -> memref<1x64xf32, #tpu.memory_space<hbm>>
          %dma_start3A_378 = arith.constant 512 : i32
          %dma_start3A_379 = tpu.memref_slice %arg2[%squeeze3A_282, %dma_start3A_378] : memref<8192x576xf32, #tpu.memory_space<hbm>> -> memref<1x64xf32, #tpu.memory_space<hbm>>
          tpu.enqueue_dma source(%dma_start3A_379 : memref<1x64xf32, #tpu.memory_space<hbm>>) target(%dma_start3A_377 : memref<1x64xf32, #tpu.memory_space<hbm>>) target_semaphore(%arg17 : memref<!tpu.dma_semaphore, #tpu.memory_space<semaphore_mem>>)
        } else {
        }
        %add3A_286 = arith.constant 7 : i32
        %add3A_287 = arith.addi %mul3A_215, %add3A_286 : i32
        %lt3A_288 = arith.cmpi slt, %add3A_287, %scan3A_19 : i32
        %slice3A_289 = vector.extract_strided_slice %get3A_209 {offsets = [7], sizes = [1], strides = [1]} : vector<16xi32> to vector<1xi32>
        %squeeze3A_290 = vector.extract %slice3A_289[0] : i32 from vector<1xi32>
        %slice3A_291 = vector.extract_strided_slice %get3A_213 {offsets = [7], sizes = [1], strides = [1]} : vector<16xi32> to vector<1xi32>
        %squeeze3A_292 = vector.extract %slice3A_291[0] : i32 from vector<1xi32>
        %convert_element_type3A_293 = arith.extui %lt3A_288 : i1 to i32
        %cond3A_294 = arith.constant 0 : i32
        %cond3A_295 = arith.cmpi ne, %convert_element_type3A_293, %cond3A_294 : i32
        scf.if %cond3A_295 {
          %dma_start3A_376 = arith.constant 512 : i32
          %dma_start3A_377 = tpu.memref_slice %arg5[%squeeze3A_290, %dma_start3A_376] : memref<65536x576xf32, #tpu.memory_space<hbm>> -> memref<1x64xf32, #tpu.memory_space<hbm>>
          %dma_start3A_378 = arith.constant 512 : i32
          %dma_start3A_379 = tpu.memref_slice %arg2[%squeeze3A_292, %dma_start3A_378] : memref<8192x576xf32, #tpu.memory_space<hbm>> -> memref<1x64xf32, #tpu.memory_space<hbm>>
          tpu.enqueue_dma source(%dma_start3A_379 : memref<1x64xf32, #tpu.memory_space<hbm>>) target(%dma_start3A_377 : memref<1x64xf32, #tpu.memory_space<hbm>>) target_semaphore(%arg17 : memref<!tpu.dma_semaphore, #tpu.memory_space<semaphore_mem>>)
        } else {
        }
        %add3A_296 = arith.constant 8 : i32
        %add3A_297 = arith.addi %mul3A_215, %add3A_296 : i32
        %lt3A_298 = arith.cmpi slt, %add3A_297, %scan3A_19 : i32
        %slice3A_299 = vector.extract_strided_slice %get3A_209 {offsets = [8], sizes = [1], strides = [1]} : vector<16xi32> to vector<1xi32>
        %squeeze3A_300 = vector.extract %slice3A_299[0] : i32 from vector<1xi32>
        %slice3A_301 = vector.extract_strided_slice %get3A_213 {offsets = [8], sizes = [1], strides = [1]} : vector<16xi32> to vector<1xi32>
        %squeeze3A_302 = vector.extract %slice3A_301[0] : i32 from vector<1xi32>
        %convert_element_type3A_303 = arith.extui %lt3A_298 : i1 to i32
        %cond3A_304 = arith.constant 0 : i32
        %cond3A_305 = arith.cmpi ne, %convert_element_type3A_303, %cond3A_304 : i32
        scf.if %cond3A_305 {
          %dma_start3A_376 = arith.constant 512 : i32
          %dma_start3A_377 = tpu.memref_slice %arg5[%squeeze3A_300, %dma_start3A_376] : memref<65536x576xf32, #tpu.memory_space<hbm>> -> memref<1x64xf32, #tpu.memory_space<hbm>>
          %dma_start3A_378 = arith.constant 512 : i32
          %dma_start3A_379 = tpu.memref_slice %arg2[%squeeze3A_302, %dma_start3A_378] : memref<8192x576xf32, #tpu.memory_space<hbm>> -> memref<1x64xf32, #tpu.memory_space<hbm>>
          tpu.enqueue_dma source(%dma_start3A_379 : memref<1x64xf32, #tpu.memory_space<hbm>>) target(%dma_start3A_377 : memref<1x64xf32, #tpu.memory_space<hbm>>) target_semaphore(%arg17 : memref<!tpu.dma_semaphore, #tpu.memory_space<semaphore_mem>>)
        } else {
        }
        %add3A_306 = arith.constant 9 : i32
        %add3A_307 = arith.addi %mul3A_215, %add3A_306 : i32
        %lt3A_308 = arith.cmpi slt, %add3A_307, %scan3A_19 : i32
        %slice3A_309 = vector.extract_strided_slice %get3A_209 {offsets = [9], sizes = [1], strides = [1]} : vector<16xi32> to vector<1xi32>
        %squeeze3A_310 = vector.extract %slice3A_309[0] : i32 from vector<1xi32>
        %slice3A_311 = vector.extract_strided_slice %get3A_213 {offsets = [9], sizes = [1], strides = [1]} : vector<16xi32> to vector<1xi32>
        %squeeze3A_312 = vector.extract %slice3A_311[0] : i32 from vector<1xi32>
        %convert_element_type3A_313 = arith.extui %lt3A_308 : i1 to i32
        %cond3A_314 = arith.constant 0 : i32
        %cond3A_315 = arith.cmpi ne, %convert_element_type3A_313, %cond3A_314 : i32
        scf.if %cond3A_315 {
          %dma_start3A_376 = arith.constant 512 : i32
          %dma_start3A_377 = tpu.memref_slice %arg5[%squeeze3A_310, %dma_start3A_376] : memref<65536x576xf32, #tpu.memory_space<hbm>> -> memref<1x64xf32, #tpu.memory_space<hbm>>
          %dma_start3A_378 = arith.constant 512 : i32
          %dma_start3A_379 = tpu.memref_slice %arg2[%squeeze3A_312, %dma_start3A_378] : memref<8192x576xf32, #tpu.memory_space<hbm>> -> memref<1x64xf32, #tpu.memory_space<hbm>>
          tpu.enqueue_dma source(%dma_start3A_379 : memref<1x64xf32, #tpu.memory_space<hbm>>) target(%dma_start3A_377 : memref<1x64xf32, #tpu.memory_space<hbm>>) target_semaphore(%arg17 : memref<!tpu.dma_semaphore, #tpu.memory_space<semaphore_mem>>)
        } else {
        }
        %add3A_316 = arith.constant 10 : i32
        %add3A_317 = arith.addi %mul3A_215, %add3A_316 : i32
        %lt3A_318 = arith.cmpi slt, %add3A_317, %scan3A_19 : i32
        %slice3A_319 = vector.extract_strided_slice %get3A_209 {offsets = [10], sizes = [1], strides = [1]} : vector<16xi32> to vector<1xi32>
        %squeeze3A_320 = vector.extract %slice3A_319[0] : i32 from vector<1xi32>
        %slice3A_321 = vector.extract_strided_slice %get3A_213 {offsets = [10], sizes = [1], strides = [1]} : vector<16xi32> to vector<1xi32>
        %squeeze3A_322 = vector.extract %slice3A_321[0] : i32 from vector<1xi32>
        %convert_element_type3A_323 = arith.extui %lt3A_318 : i1 to i32
        %cond3A_324 = arith.constant 0 : i32
        %cond3A_325 = arith.cmpi ne, %convert_element_type3A_323, %cond3A_324 : i32
        scf.if %cond3A_325 {
          %dma_start3A_376 = arith.constant 512 : i32
          %dma_start3A_377 = tpu.memref_slice %arg5[%squeeze3A_320, %dma_start3A_376] : memref<65536x576xf32, #tpu.memory_space<hbm>> -> memref<1x64xf32, #tpu.memory_space<hbm>>
          %dma_start3A_378 = arith.constant 512 : i32
          %dma_start3A_379 = tpu.memref_slice %arg2[%squeeze3A_322, %dma_start3A_378] : memref<8192x576xf32, #tpu.memory_space<hbm>> -> memref<1x64xf32, #tpu.memory_space<hbm>>
          tpu.enqueue_dma source(%dma_start3A_379 : memref<1x64xf32, #tpu.memory_space<hbm>>) target(%dma_start3A_377 : memref<1x64xf32, #tpu.memory_space<hbm>>) target_semaphore(%arg17 : memref<!tpu.dma_semaphore, #tpu.memory_space<semaphore_mem>>)
        } else {
        }
        %add3A_326 = arith.constant 11 : i32
        %add3A_327 = arith.addi %mul3A_215, %add3A_326 : i32
        %lt3A_328 = arith.cmpi slt, %add3A_327, %scan3A_19 : i32
        %slice3A_329 = vector.extract_strided_slice %get3A_209 {offsets = [11], sizes = [1], strides = [1]} : vector<16xi32> to vector<1xi32>
        %squeeze3A_330 = vector.extract %slice3A_329[0] : i32 from vector<1xi32>
        %slice3A_331 = vector.extract_strided_slice %get3A_213 {offsets = [11], sizes = [1], strides = [1]} : vector<16xi32> to vector<1xi32>
        %squeeze3A_332 = vector.extract %slice3A_331[0] : i32 from vector<1xi32>
        %convert_element_type3A_333 = arith.extui %lt3A_328 : i1 to i32
        %cond3A_334 = arith.constant 0 : i32
        %cond3A_335 = arith.cmpi ne, %convert_element_type3A_333, %cond3A_334 : i32
        scf.if %cond3A_335 {
          %dma_start3A_376 = arith.constant 512 : i32
          %dma_start3A_377 = tpu.memref_slice %arg5[%squeeze3A_330, %dma_start3A_376] : memref<65536x576xf32, #tpu.memory_space<hbm>> -> memref<1x64xf32, #tpu.memory_space<hbm>>
          %dma_start3A_378 = arith.constant 512 : i32
          %dma_start3A_379 = tpu.memref_slice %arg2[%squeeze3A_332, %dma_start3A_378] : memref<8192x576xf32, #tpu.memory_space<hbm>> -> memref<1x64xf32, #tpu.memory_space<hbm>>
          tpu.enqueue_dma source(%dma_start3A_379 : memref<1x64xf32, #tpu.memory_space<hbm>>) target(%dma_start3A_377 : memref<1x64xf32, #tpu.memory_space<hbm>>) target_semaphore(%arg17 : memref<!tpu.dma_semaphore, #tpu.memory_space<semaphore_mem>>)
        } else {
        }
        %add3A_336 = arith.constant 12 : i32
        %add3A_337 = arith.addi %mul3A_215, %add3A_336 : i32
        %lt3A_338 = arith.cmpi slt, %add3A_337, %scan3A_19 : i32
        %slice3A_339 = vector.extract_strided_slice %get3A_209 {offsets = [12], sizes = [1], strides = [1]} : vector<16xi32> to vector<1xi32>
        %squeeze3A_340 = vector.extract %slice3A_339[0] : i32 from vector<1xi32>
        %slice3A_341 = vector.extract_strided_slice %get3A_213 {offsets = [12], sizes = [1], strides = [1]} : vector<16xi32> to vector<1xi32>
        %squeeze3A_342 = vector.extract %slice3A_341[0] : i32 from vector<1xi32>
        %convert_element_type3A_343 = arith.extui %lt3A_338 : i1 to i32
        %cond3A_344 = arith.constant 0 : i32
        %cond3A_345 = arith.cmpi ne, %convert_element_type3A_343, %cond3A_344 : i32
        scf.if %cond3A_345 {
          %dma_start3A_376 = arith.constant 512 : i32
          %dma_start3A_377 = tpu.memref_slice %arg5[%squeeze3A_340, %dma_start3A_376] : memref<65536x576xf32, #tpu.memory_space<hbm>> -> memref<1x64xf32, #tpu.memory_space<hbm>>
          %dma_start3A_378 = arith.constant 512 : i32
          %dma_start3A_379 = tpu.memref_slice %arg2[%squeeze3A_342, %dma_start3A_378] : memref<8192x576xf32, #tpu.memory_space<hbm>> -> memref<1x64xf32, #tpu.memory_space<hbm>>
          tpu.enqueue_dma source(%dma_start3A_379 : memref<1x64xf32, #tpu.memory_space<hbm>>) target(%dma_start3A_377 : memref<1x64xf32, #tpu.memory_space<hbm>>) target_semaphore(%arg17 : memref<!tpu.dma_semaphore, #tpu.memory_space<semaphore_mem>>)
        } else {
        }
        %add3A_346 = arith.constant 13 : i32
        %add3A_347 = arith.addi %mul3A_215, %add3A_346 : i32
        %lt3A_348 = arith.cmpi slt, %add3A_347, %scan3A_19 : i32
        %slice3A_349 = vector.extract_strided_slice %get3A_209 {offsets = [13], sizes = [1], strides = [1]} : vector<16xi32> to vector<1xi32>
        %squeeze3A_350 = vector.extract %slice3A_349[0] : i32 from vector<1xi32>
        %slice3A_351 = vector.extract_strided_slice %get3A_213 {offsets = [13], sizes = [1], strides = [1]} : vector<16xi32> to vector<1xi32>
        %squeeze3A_352 = vector.extract %slice3A_351[0] : i32 from vector<1xi32>
        %convert_element_type3A_353 = arith.extui %lt3A_348 : i1 to i32
        %cond3A_354 = arith.constant 0 : i32
        %cond3A_355 = arith.cmpi ne, %convert_element_type3A_353, %cond3A_354 : i32
        scf.if %cond3A_355 {
          %dma_start3A_376 = arith.constant 512 : i32
          %dma_start3A_377 = tpu.memref_slice %arg5[%squeeze3A_350, %dma_start3A_376] : memref<65536x576xf32, #tpu.memory_space<hbm>> -> memref<1x64xf32, #tpu.memory_space<hbm>>
          %dma_start3A_378 = arith.constant 512 : i32
          %dma_start3A_379 = tpu.memref_slice %arg2[%squeeze3A_352, %dma_start3A_378] : memref<8192x576xf32, #tpu.memory_space<hbm>> -> memref<1x64xf32, #tpu.memory_space<hbm>>
          tpu.enqueue_dma source(%dma_start3A_379 : memref<1x64xf32, #tpu.memory_space<hbm>>) target(%dma_start3A_377 : memref<1x64xf32, #tpu.memory_space<hbm>>) target_semaphore(%arg17 : memref<!tpu.dma_semaphore, #tpu.memory_space<semaphore_mem>>)
        } else {
        }
        %add3A_356 = arith.constant 14 : i32
        %add3A_357 = arith.addi %mul3A_215, %add3A_356 : i32
        %lt3A_358 = arith.cmpi slt, %add3A_357, %scan3A_19 : i32
        %slice3A_359 = vector.extract_strided_slice %get3A_209 {offsets = [14], sizes = [1], strides = [1]} : vector<16xi32> to vector<1xi32>
        %squeeze3A_360 = vector.extract %slice3A_359[0] : i32 from vector<1xi32>
        %slice3A_361 = vector.extract_strided_slice %get3A_213 {offsets = [14], sizes = [1], strides = [1]} : vector<16xi32> to vector<1xi32>
        %squeeze3A_362 = vector.extract %slice3A_361[0] : i32 from vector<1xi32>
        %convert_element_type3A_363 = arith.extui %lt3A_358 : i1 to i32
        %cond3A_364 = arith.constant 0 : i32
        %cond3A_365 = arith.cmpi ne, %convert_element_type3A_363, %cond3A_364 : i32
        scf.if %cond3A_365 {
          %dma_start3A_376 = arith.constant 512 : i32
          %dma_start3A_377 = tpu.memref_slice %arg5[%squeeze3A_360, %dma_start3A_376] : memref<65536x576xf32, #tpu.memory_space<hbm>> -> memref<1x64xf32, #tpu.memory_space<hbm>>
          %dma_start3A_378 = arith.constant 512 : i32
          %dma_start3A_379 = tpu.memref_slice %arg2[%squeeze3A_362, %dma_start3A_378] : memref<8192x576xf32, #tpu.memory_space<hbm>> -> memref<1x64xf32, #tpu.memory_space<hbm>>
          tpu.enqueue_dma source(%dma_start3A_379 : memref<1x64xf32, #tpu.memory_space<hbm>>) target(%dma_start3A_377 : memref<1x64xf32, #tpu.memory_space<hbm>>) target_semaphore(%arg17 : memref<!tpu.dma_semaphore, #tpu.memory_space<semaphore_mem>>)
        } else {
        }
        %add3A_366 = arith.constant 15 : i32
        %add3A_367 = arith.addi %mul3A_215, %add3A_366 : i32
        %lt3A_368 = arith.cmpi slt, %add3A_367, %scan3A_19 : i32
        %slice3A_369 = vector.extract_strided_slice %get3A_209 {offsets = [15], sizes = [1], strides = [1]} : vector<16xi32> to vector<1xi32>
        %squeeze3A_370 = vector.extract %slice3A_369[0] : i32 from vector<1xi32>
        %slice3A_371 = vector.extract_strided_slice %get3A_213 {offsets = [15], sizes = [1], strides = [1]} : vector<16xi32> to vector<1xi32>
        %squeeze3A_372 = vector.extract %slice3A_371[0] : i32 from vector<1xi32>
        %convert_element_type3A_373 = arith.extui %lt3A_368 : i1 to i32
        %cond3A_374 = arith.constant 0 : i32
        %cond3A_375 = arith.cmpi ne, %convert_element_type3A_373, %cond3A_374 : i32
        scf.if %cond3A_375 {
          %dma_start3A_376 = arith.constant 512 : i32
          %dma_start3A_377 = tpu.memref_slice %arg5[%squeeze3A_370, %dma_start3A_376] : memref<65536x576xf32, #tpu.memory_space<hbm>> -> memref<1x64xf32, #tpu.memory_space<hbm>>
          %dma_start3A_378 = arith.constant 512 : i32
          %dma_start3A_379 = tpu.memref_slice %arg2[%squeeze3A_372, %dma_start3A_378] : memref<8192x576xf32, #tpu.memory_space<hbm>> -> memref<1x64xf32, #tpu.memory_space<hbm>>
          tpu.enqueue_dma source(%dma_start3A_379 : memref<1x64xf32, #tpu.memory_space<hbm>>) target(%dma_start3A_377 : memref<1x64xf32, #tpu.memory_space<hbm>>) target_semaphore(%arg17 : memref<!tpu.dma_semaphore, #tpu.memory_space<semaphore_mem>>)
        } else {
        }
      }
      %dma_start3A = arith.constant 0 : i32
      %dma_start3A_151 = arith.constant 0 : i32
      %dma_start3A_152 = tpu.memref_slice %arg13[%dma_start3A, %dma_start3A_151] : memref<128x512xf32, #tpu.memory_space<vmem>> -> memref<64x512xf32, #tpu.memory_space<vmem>>
      %dma_start3A_153 = arith.constant 0 : i32
      %dma_start3A_154 = tpu.memref_slice %arg10[%dma_start3A_153] : memref<2048xi32, #tpu.memory_space<vmem>> -> memref<64xi32, #tpu.memory_space<vmem>>
      %dma_start3A_155 = arith.constant 0 : i32
      %dma_start3A_156 = arith.constant 0 : i32
      %dma_start3A_157 = tpu.memref_slice %arg2[%dma_start3A_155, %dma_start3A_156] : memref<8192x576xf32, #tpu.memory_space<hbm>> -> memref<8192x512xf32, #tpu.memory_space<hbm>>
      tpu.enqueue_indirect_dma source(%dma_start3A_157 : memref<8192x512xf32, #tpu.memory_space<hbm>>) target(%dma_start3A_152 : memref<64x512xf32, #tpu.memory_space<vmem>>) offsets(%dma_start3A_154 : memref<64xi32, #tpu.memory_space<vmem>>) semaphore(%arg15 : memref<!tpu.dma_semaphore, #tpu.memory_space<semaphore_mem>>)
      %while3A_158 = arith.constant 0 : i32
      %while3A_159 = arith.constant 0 : i32
      %while3A_160 = arith.subi %select_n3A, %while3A_159 : i32
      %while3A_161 = arith.addi %while3A_159, %while3A_160 : i32
      %while3A_162 = arith.constant 1 : i32
      %while3A_163 = arith.divsi %while3A_160, %while3A_162 : i32
      %while3A_164 = arith.muli %while3A_163, %while3A_162 : i32
      %while3A_165 = arith.addi %while3A_159, %while3A_164 : i32
      %while3A_166 = arith.constant 1 : i32
      scf.for %while3A_205 = %while3A_159 to %while3A_165 step %while3A_166  : i32 {
        %jit3A_206 = arith.constant 2 : i32
        %eq3A_207 = arith.constant 0 : i32
        %eq3A_208 = arith.cmpi eq, %jit3A_206, %eq3A_207 : i32
        %jit3A_209 = arith.constant 1 : i32
        %select_n3A_210 = arith.select %eq3A_208, %jit3A_209, %jit3A_206 : i32
        %rem3A_211 = arith.remsi %while3A_205, %select_n3A_210 : i32
        %ne3A_212 = arith.constant 0 : i32
        %ne3A_213 = arith.cmpi ne, %rem3A_211, %ne3A_212 : i32
        %lt3A_214 = arith.constant 0 : i32
        %lt3A_215 = arith.cmpi slt, %rem3A_211, %lt3A_214 : i32
        %lt3A_216 = arith.constant 0 : i32
        %lt3A_217 = arith.cmpi slt, %select_n3A_210, %lt3A_216 : i32
        %ne3A_218 = arith.xori %lt3A_215, %lt3A_217 : i1
        %and3A_219 = arith.andi %ne3A_218, %ne3A_213 : i1
        %add3A_220 = arith.addi %rem3A_211, %select_n3A_210 : i32
        %select_n3A_221 = arith.select %and3A_219, %add3A_220, %rem3A_211 : i32
        %mul3A_222 = arith.constant 64 : i32
        %mul3A_223 = arith.muli %while3A_205, %mul3A_222 : i32
        %mul3A_224 = arith.constant 64 : i32
        %mul3A_225 = arith.muli %select_n3A_221, %mul3A_224 : i32
        %dma_wait3A_226 = arith.constant 0 : i32
        %dma_wait3A_227 = tpu.memref_slice %arg13[%mul3A_225, %dma_wait3A_226] : memref<128x512xf32, #tpu.memory_space<vmem>> -> memref<64x512xf32, #tpu.memory_space<vmem>>
        %dma_wait3A_228 = tpu.memref_slice %arg10[%mul3A_223] : memref<2048xi32, #tpu.memory_space<vmem>> -> memref<64xi32, #tpu.memory_space<vmem>>
        %dma_wait3A_229 = arith.constant 0 : i32
        %dma_wait3A_230 = arith.constant 0 : i32
        %dma_wait3A_231 = tpu.memref_slice %arg2[%dma_wait3A_229, %dma_wait3A_230] : memref<8192x576xf32, #tpu.memory_space<hbm>> -> memref<8192x512xf32, #tpu.memory_space<hbm>>
        tpu.wait_indirect_dma semaphore(%arg15 : memref<!tpu.dma_semaphore, #tpu.memory_space<semaphore_mem>>) src(%dma_wait3A_231 : memref<8192x512xf32, #tpu.memory_space<hbm>>) dst(%dma_wait3A_227 : memref<64x512xf32, #tpu.memory_space<vmem>>)
        %ge3A = arith.constant 1 : i32
        %ge3A_232 = arith.cmpi sge, %while3A_205, %ge3A : i32
        %convert_element_type3A_233 = arith.extui %ge3A_232 : i1 to i32
        %cond3A_234 = arith.constant 0 : i32
        %cond3A_235 = arith.cmpi ne, %convert_element_type3A_233, %cond3A_234 : i32
        scf.if %cond3A_235 {
          %sub3A_252 = arith.constant 1 : i32
          %sub3A_253 = arith.subi %while3A_205, %sub3A_252 : i32
          %sub3A_254 = arith.constant 1 : i32
          %sub3A_255 = arith.subi %sub3A_254, %select_n3A_221 : i32
          %mul3A_256 = arith.constant 64 : i32
          %mul3A_257 = arith.muli %sub3A_255, %mul3A_256 : i32
          %dma_wait3A_258 = arith.constant 0 : i32
          %dma_wait3A_259 = tpu.memref_slice %arg13[%mul3A_257, %dma_wait3A_258] : memref<128x512xf32, #tpu.memory_space<vmem>> -> memref<64x512xf32, #tpu.memory_space<vmem>>
          %dma_wait3A_260 = arith.constant 0 : i32
          %dma_wait3A_261 = tpu.memref_slice %arg12[%sub3A_253, %dma_wait3A_260] : memref<32x64xi32, #tpu.memory_space<vmem>> -> memref<1x64xi32, #tpu.memory_space<vmem>>
          %dma_wait3A_262 = tpu.memref_squeeze %dma_wait3A_261 : memref<1x64xi32, #tpu.memory_space<vmem>> -> memref<64xi32, #tpu.memory_space<vmem>>
          %dma_wait3A_263 = arith.constant 0 : i32
          %dma_wait3A_264 = arith.constant 0 : i32
          %dma_wait3A_265 = tpu.memref_slice %arg5[%dma_wait3A_263, %dma_wait3A_264] : memref<65536x576xf32, #tpu.memory_space<hbm>> -> memref<65536x512xf32, #tpu.memory_space<hbm>>
          tpu.wait_indirect_dma semaphore(%arg16 : memref<!tpu.dma_semaphore, #tpu.memory_space<semaphore_mem>>) src(%dma_wait3A_259 : memref<64x512xf32, #tpu.memory_space<vmem>>) dst(%dma_wait3A_265 : memref<65536x512xf32, #tpu.memory_space<hbm>>)
        } else {
        }
        %add3A_236 = arith.constant 1 : i32
        %add3A_237 = arith.addi %while3A_205, %add3A_236 : i32
        %lt3A_238 = arith.cmpi slt, %add3A_237, %select_n3A : i32
        %convert_element_type3A_239 = arith.extui %lt3A_238 : i1 to i32
        %cond3A_240 = arith.constant 0 : i32
        %cond3A_241 = arith.cmpi ne, %convert_element_type3A_239, %cond3A_240 : i32
        scf.if %cond3A_241 {
          %add3A_252 = arith.constant 1 : i32
          %add3A_253 = arith.addi %while3A_205, %add3A_252 : i32
          %sub3A_254 = arith.constant 1 : i32
          %sub3A_255 = arith.subi %sub3A_254, %select_n3A_221 : i32
          %mul3A_256 = arith.constant 64 : i32
          %mul3A_257 = arith.muli %add3A_253, %mul3A_256 : i32
          %mul3A_258 = arith.constant 64 : i32
          %mul3A_259 = arith.muli %sub3A_255, %mul3A_258 : i32
          %dma_start3A_260 = arith.constant 0 : i32
          %dma_start3A_261 = tpu.memref_slice %arg13[%mul3A_259, %dma_start3A_260] : memref<128x512xf32, #tpu.memory_space<vmem>> -> memref<64x512xf32, #tpu.memory_space<vmem>>
          %dma_start3A_262 = tpu.memref_slice %arg10[%mul3A_257] : memref<2048xi32, #tpu.memory_space<vmem>> -> memref<64xi32, #tpu.memory_space<vmem>>
          %dma_start3A_263 = arith.constant 0 : i32
          %dma_start3A_264 = arith.constant 0 : i32
          %dma_start3A_265 = tpu.memref_slice %arg2[%dma_start3A_263, %dma_start3A_264] : memref<8192x576xf32, #tpu.memory_space<hbm>> -> memref<8192x512xf32, #tpu.memory_space<hbm>>
          tpu.enqueue_indirect_dma source(%dma_start3A_265 : memref<8192x512xf32, #tpu.memory_space<hbm>>) target(%dma_start3A_261 : memref<64x512xf32, #tpu.memory_space<vmem>>) offsets(%dma_start3A_262 : memref<64xi32, #tpu.memory_space<vmem>>) semaphore(%arg15 : memref<!tpu.dma_semaphore, #tpu.memory_space<semaphore_mem>>)
        } else {
        }
        %mul3A_242 = arith.constant 64 : i32
        %mul3A_243 = arith.muli %select_n3A_221, %mul3A_242 : i32
        %dma_start3A_244 = arith.constant 0 : i32
        %dma_start3A_245 = tpu.memref_slice %arg13[%mul3A_243, %dma_start3A_244] : memref<128x512xf32, #tpu.memory_space<vmem>> -> memref<64x512xf32, #tpu.memory_space<vmem>>
        %dma_start3A_246 = arith.constant 0 : i32
        %dma_start3A_247 = tpu.memref_slice %arg12[%while3A_205, %dma_start3A_246] : memref<32x64xi32, #tpu.memory_space<vmem>> -> memref<1x64xi32, #tpu.memory_space<vmem>>
        %dma_start3A_248 = tpu.memref_squeeze %dma_start3A_247 : memref<1x64xi32, #tpu.memory_space<vmem>> -> memref<64xi32, #tpu.memory_space<vmem>>
        %dma_start3A_249 = arith.constant 0 : i32
        %dma_start3A_250 = arith.constant 0 : i32
        %dma_start3A_251 = tpu.memref_slice %arg5[%dma_start3A_249, %dma_start3A_250] : memref<65536x576xf32, #tpu.memory_space<hbm>> -> memref<65536x512xf32, #tpu.memory_space<hbm>>
        tpu.enqueue_indirect_dma source(%dma_start3A_245 : memref<64x512xf32, #tpu.memory_space<vmem>>) target(%dma_start3A_251 : memref<65536x512xf32, #tpu.memory_space<hbm>>) offsets(%dma_start3A_248 : memref<64xi32, #tpu.memory_space<vmem>>) semaphore(%arg16 : memref<!tpu.dma_semaphore, #tpu.memory_space<semaphore_mem>>)
      }
      %while3A_167 = arith.constant 1 : i32
      scf.for %while3A_205 = %while3A_165 to %while3A_161 step %while3A_167  : i32 {
        %jit3A_206 = arith.constant 2 : i32
        %eq3A_207 = arith.constant 0 : i32
        %eq3A_208 = arith.cmpi eq, %jit3A_206, %eq3A_207 : i32
        %jit3A_209 = arith.constant 1 : i32
        %select_n3A_210 = arith.select %eq3A_208, %jit3A_209, %jit3A_206 : i32
        %rem3A_211 = arith.remsi %while3A_205, %select_n3A_210 : i32
        %ne3A_212 = arith.constant 0 : i32
        %ne3A_213 = arith.cmpi ne, %rem3A_211, %ne3A_212 : i32
        %lt3A_214 = arith.constant 0 : i32
        %lt3A_215 = arith.cmpi slt, %rem3A_211, %lt3A_214 : i32
        %lt3A_216 = arith.constant 0 : i32
        %lt3A_217 = arith.cmpi slt, %select_n3A_210, %lt3A_216 : i32
        %ne3A_218 = arith.xori %lt3A_215, %lt3A_217 : i1
        %and3A_219 = arith.andi %ne3A_218, %ne3A_213 : i1
        %add3A_220 = arith.addi %rem3A_211, %select_n3A_210 : i32
        %select_n3A_221 = arith.select %and3A_219, %add3A_220, %rem3A_211 : i32
        %mul3A_222 = arith.constant 64 : i32
        %mul3A_223 = arith.muli %while3A_205, %mul3A_222 : i32
        %mul3A_224 = arith.constant 64 : i32
        %mul3A_225 = arith.muli %select_n3A_221, %mul3A_224 : i32
        %dma_wait3A_226 = arith.constant 0 : i32
        %dma_wait3A_227 = tpu.memref_slice %arg13[%mul3A_225, %dma_wait3A_226] : memref<128x512xf32, #tpu.memory_space<vmem>> -> memref<64x512xf32, #tpu.memory_space<vmem>>
        %dma_wait3A_228 = tpu.memref_slice %arg10[%mul3A_223] : memref<2048xi32, #tpu.memory_space<vmem>> -> memref<64xi32, #tpu.memory_space<vmem>>
        %dma_wait3A_229 = arith.constant 0 : i32
        %dma_wait3A_230 = arith.constant 0 : i32
        %dma_wait3A_231 = tpu.memref_slice %arg2[%dma_wait3A_229, %dma_wait3A_230] : memref<8192x576xf32, #tpu.memory_space<hbm>> -> memref<8192x512xf32, #tpu.memory_space<hbm>>
        tpu.wait_indirect_dma semaphore(%arg15 : memref<!tpu.dma_semaphore, #tpu.memory_space<semaphore_mem>>) src(%dma_wait3A_231 : memref<8192x512xf32, #tpu.memory_space<hbm>>) dst(%dma_wait3A_227 : memref<64x512xf32, #tpu.memory_space<vmem>>)
        %ge3A = arith.constant 1 : i32
        %ge3A_232 = arith.cmpi sge, %while3A_205, %ge3A : i32
        %convert_element_type3A_233 = arith.extui %ge3A_232 : i1 to i32
        %cond3A_234 = arith.constant 0 : i32
        %cond3A_235 = arith.cmpi ne, %convert_element_type3A_233, %cond3A_234 : i32
        scf.if %cond3A_235 {
          %sub3A_252 = arith.constant 1 : i32
          %sub3A_253 = arith.subi %while3A_205, %sub3A_252 : i32
          %sub3A_254 = arith.constant 1 : i32
          %sub3A_255 = arith.subi %sub3A_254, %select_n3A_221 : i32
          %mul3A_256 = arith.constant 64 : i32
          %mul3A_257 = arith.muli %sub3A_255, %mul3A_256 : i32
          %dma_wait3A_258 = arith.constant 0 : i32
          %dma_wait3A_259 = tpu.memref_slice %arg13[%mul3A_257, %dma_wait3A_258] : memref<128x512xf32, #tpu.memory_space<vmem>> -> memref<64x512xf32, #tpu.memory_space<vmem>>
          %dma_wait3A_260 = arith.constant 0 : i32
          %dma_wait3A_261 = tpu.memref_slice %arg12[%sub3A_253, %dma_wait3A_260] : memref<32x64xi32, #tpu.memory_space<vmem>> -> memref<1x64xi32, #tpu.memory_space<vmem>>
          %dma_wait3A_262 = tpu.memref_squeeze %dma_wait3A_261 : memref<1x64xi32, #tpu.memory_space<vmem>> -> memref<64xi32, #tpu.memory_space<vmem>>
          %dma_wait3A_263 = arith.constant 0 : i32
          %dma_wait3A_264 = arith.constant 0 : i32
          %dma_wait3A_265 = tpu.memref_slice %arg5[%dma_wait3A_263, %dma_wait3A_264] : memref<65536x576xf32, #tpu.memory_space<hbm>> -> memref<65536x512xf32, #tpu.memory_space<hbm>>
          tpu.wait_indirect_dma semaphore(%arg16 : memref<!tpu.dma_semaphore, #tpu.memory_space<semaphore_mem>>) src(%dma_wait3A_259 : memref<64x512xf32, #tpu.memory_space<vmem>>) dst(%dma_wait3A_265 : memref<65536x512xf32, #tpu.memory_space<hbm>>)
        } else {
        }
        %add3A_236 = arith.constant 1 : i32
        %add3A_237 = arith.addi %while3A_205, %add3A_236 : i32
        %lt3A_238 = arith.cmpi slt, %add3A_237, %select_n3A : i32
        %convert_element_type3A_239 = arith.extui %lt3A_238 : i1 to i32
        %cond3A_240 = arith.constant 0 : i32
        %cond3A_241 = arith.cmpi ne, %convert_element_type3A_239, %cond3A_240 : i32
        scf.if %cond3A_241 {
          %add3A_252 = arith.constant 1 : i32
          %add3A_253 = arith.addi %while3A_205, %add3A_252 : i32
          %sub3A_254 = arith.constant 1 : i32
          %sub3A_255 = arith.subi %sub3A_254, %select_n3A_221 : i32
          %mul3A_256 = arith.constant 64 : i32
          %mul3A_257 = arith.muli %add3A_253, %mul3A_256 : i32
          %mul3A_258 = arith.constant 64 : i32
          %mul3A_259 = arith.muli %sub3A_255, %mul3A_258 : i32
          %dma_start3A_260 = arith.constant 0 : i32
          %dma_start3A_261 = tpu.memref_slice %arg13[%mul3A_259, %dma_start3A_260] : memref<128x512xf32, #tpu.memory_space<vmem>> -> memref<64x512xf32, #tpu.memory_space<vmem>>
          %dma_start3A_262 = tpu.memref_slice %arg10[%mul3A_257] : memref<2048xi32, #tpu.memory_space<vmem>> -> memref<64xi32, #tpu.memory_space<vmem>>
          %dma_start3A_263 = arith.constant 0 : i32
          %dma_start3A_264 = arith.constant 0 : i32
          %dma_start3A_265 = tpu.memref_slice %arg2[%dma_start3A_263, %dma_start3A_264] : memref<8192x576xf32, #tpu.memory_space<hbm>> -> memref<8192x512xf32, #tpu.memory_space<hbm>>
          tpu.enqueue_indirect_dma source(%dma_start3A_265 : memref<8192x512xf32, #tpu.memory_space<hbm>>) target(%dma_start3A_261 : memref<64x512xf32, #tpu.memory_space<vmem>>) offsets(%dma_start3A_262 : memref<64xi32, #tpu.memory_space<vmem>>) semaphore(%arg15 : memref<!tpu.dma_semaphore, #tpu.memory_space<semaphore_mem>>)
        } else {
        }
        %mul3A_242 = arith.constant 64 : i32
        %mul3A_243 = arith.muli %select_n3A_221, %mul3A_242 : i32
        %dma_start3A_244 = arith.constant 0 : i32
        %dma_start3A_245 = tpu.memref_slice %arg13[%mul3A_243, %dma_start3A_244] : memref<128x512xf32, #tpu.memory_space<vmem>> -> memref<64x512xf32, #tpu.memory_space<vmem>>
        %dma_start3A_246 = arith.constant 0 : i32
        %dma_start3A_247 = tpu.memref_slice %arg12[%while3A_205, %dma_start3A_246] : memref<32x64xi32, #tpu.memory_space<vmem>> -> memref<1x64xi32, #tpu.memory_space<vmem>>
        %dma_start3A_248 = tpu.memref_squeeze %dma_start3A_247 : memref<1x64xi32, #tpu.memory_space<vmem>> -> memref<64xi32, #tpu.memory_space<vmem>>
        %dma_start3A_249 = arith.constant 0 : i32
        %dma_start3A_250 = arith.constant 0 : i32
        %dma_start3A_251 = tpu.memref_slice %arg5[%dma_start3A_249, %dma_start3A_250] : memref<65536x576xf32, #tpu.memory_space<hbm>> -> memref<65536x512xf32, #tpu.memory_space<hbm>>
        tpu.enqueue_indirect_dma source(%dma_start3A_245 : memref<64x512xf32, #tpu.memory_space<vmem>>) target(%dma_start3A_251 : memref<65536x512xf32, #tpu.memory_space<hbm>>) offsets(%dma_start3A_248 : memref<64xi32, #tpu.memory_space<vmem>>) semaphore(%arg16 : memref<!tpu.dma_semaphore, #tpu.memory_space<semaphore_mem>>)
      }
      %sub3A_168 = arith.constant 1 : i32
      %sub3A_169 = arith.subi %select_n3A, %sub3A_168 : i32
      %sub3A_170 = arith.constant 1 : i32
      %sub3A_171 = arith.subi %select_n3A, %sub3A_170 : i32
      %jit3A_172 = arith.constant 2 : i32
      %eq3A = arith.constant 0 : i32
      %eq3A_173 = arith.cmpi eq, %jit3A_172, %eq3A : i32
      %jit3A_174 = arith.constant 1 : i32
      %select_n3A_175 = arith.select %eq3A_173, %jit3A_174, %jit3A_172 : i32
      %rem3A_176 = arith.remsi %sub3A_171, %select_n3A_175 : i32
      %ne3A_177 = arith.constant 0 : i32
      %ne3A_178 = arith.cmpi ne, %rem3A_176, %ne3A_177 : i32
      %lt3A = arith.constant 0 : i32
      %lt3A_179 = arith.cmpi slt, %rem3A_176, %lt3A : i32
      %lt3A_180 = arith.constant 0 : i32
      %lt3A_181 = arith.cmpi slt, %select_n3A_175, %lt3A_180 : i32
      %ne3A_182 = arith.xori %lt3A_179, %lt3A_181 : i1
      %and3A_183 = arith.andi %ne3A_182, %ne3A_178 : i1
      %add3A_184 = arith.addi %rem3A_176, %select_n3A_175 : i32
      %select_n3A_185 = arith.select %and3A_183, %add3A_184, %rem3A_176 : i32
      %mul3A_186 = arith.constant 64 : i32
      %mul3A_187 = arith.muli %select_n3A_185, %mul3A_186 : i32
      %dma_wait3A = arith.constant 0 : i32
      %dma_wait3A_188 = tpu.memref_slice %arg13[%mul3A_187, %dma_wait3A] : memref<128x512xf32, #tpu.memory_space<vmem>> -> memref<64x512xf32, #tpu.memory_space<vmem>>
      %dma_wait3A_189 = arith.constant 0 : i32
      %dma_wait3A_190 = tpu.memref_slice %arg12[%sub3A_169, %dma_wait3A_189] : memref<32x64xi32, #tpu.memory_space<vmem>> -> memref<1x64xi32, #tpu.memory_space<vmem>>
      %dma_wait3A_191 = tpu.memref_squeeze %dma_wait3A_190 : memref<1x64xi32, #tpu.memory_space<vmem>> -> memref<64xi32, #tpu.memory_space<vmem>>
      %dma_wait3A_192 = arith.constant 0 : i32
      %dma_wait3A_193 = arith.constant 0 : i32
      %dma_wait3A_194 = tpu.memref_slice %arg5[%dma_wait3A_192, %dma_wait3A_193] : memref<65536x576xf32, #tpu.memory_space<hbm>> -> memref<65536x512xf32, #tpu.memory_space<hbm>>
      tpu.wait_indirect_dma semaphore(%arg16 : memref<!tpu.dma_semaphore, #tpu.memory_space<semaphore_mem>>) src(%dma_wait3A_188 : memref<64x512xf32, #tpu.memory_space<vmem>>) dst(%dma_wait3A_194 : memref<65536x512xf32, #tpu.memory_space<hbm>>)
      %while3A_195 = arith.constant 0 : i32
      %while3A_196 = arith.constant 0 : i32
      %while3A_197 = arith.subi %scan3A_19, %while3A_196 : i32
      %while3A_198 = arith.addi %while3A_196, %while3A_197 : i32
      %while3A_199 = arith.constant 1 : i32
      %while3A_200 = arith.divsi %while3A_197, %while3A_199 : i32
      %while3A_201 = arith.muli %while3A_200, %while3A_199 : i32
      %while3A_202 = arith.addi %while3A_196, %while3A_201 : i32
      %while3A_203 = arith.constant 1 : i32
      scf.for %while3A_205 = %while3A_196 to %while3A_202 step %while3A_203  : i32 {
        %dma_wait3A_206 = arith.constant 0 : i32
        %dma_wait3A_207 = arith.constant 512 : i32
        %dma_wait3A_208 = tpu.memref_slice %arg5[%dma_wait3A_206, %dma_wait3A_207] : memref<65536x576xf32, #tpu.memory_space<hbm>> -> memref<1x64xf32, #tpu.memory_space<hbm>>
        %dma_wait3A_209 = arith.constant 0 : i32
        %dma_wait3A_210 = arith.constant 512 : i32
        %dma_wait3A_211 = tpu.memref_slice %arg2[%dma_wait3A_209, %dma_wait3A_210] : memref<8192x576xf32, #tpu.memory_space<hbm>> -> memref<1x64xf32, #tpu.memory_space<hbm>>
        tpu.wait_dma2 semaphore(%arg17 : memref<!tpu.dma_semaphore, #tpu.memory_space<semaphore_mem>>) src(%dma_wait3A_211 : memref<1x64xf32, #tpu.memory_space<hbm>>) dst(%dma_wait3A_208 : memref<1x64xf32, #tpu.memory_space<hbm>>)
      }
      %while3A_204 = arith.constant 1 : i32
      scf.for %while3A_205 = %while3A_202 to %while3A_198 step %while3A_204  : i32 {
        %dma_wait3A_206 = arith.constant 0 : i32
        %dma_wait3A_207 = arith.constant 512 : i32
        %dma_wait3A_208 = tpu.memref_slice %arg5[%dma_wait3A_206, %dma_wait3A_207] : memref<65536x576xf32, #tpu.memory_space<hbm>> -> memref<1x64xf32, #tpu.memory_space<hbm>>
        %dma_wait3A_209 = arith.constant 0 : i32
        %dma_wait3A_210 = arith.constant 512 : i32
        %dma_wait3A_211 = tpu.memref_slice %arg2[%dma_wait3A_209, %dma_wait3A_210] : memref<8192x576xf32, #tpu.memory_space<hbm>> -> memref<1x64xf32, #tpu.memory_space<hbm>>
        tpu.wait_dma2 semaphore(%arg17 : memref<!tpu.dma_semaphore, #tpu.memory_space<semaphore_mem>>) src(%dma_wait3A_211 : memref<1x64xf32, #tpu.memory_space<hbm>>) dst(%dma_wait3A_208 : memref<1x64xf32, #tpu.memory_space<hbm>>)
      }
    } else {
    }
    return
  }
}

</mosaic_0001>

<sc_bundles>
// kernel: kernel.3.cloned.1.call-start
scs
__scs_entry_jumppad:
0x0: {  	(pc) =	sbr.rel $0x88, $3  }
0x1: {  	(tag) =	ssettag $0x0;
	lr =	simm.s32 $0x1  }
0x2: {  	[smem:$0x3F9C] =	sst lr;
	_ =	strace $0xD0000000  }
0x3: {  	_ = 	snop  }
0x4: {  	_ = 	snop  }
0x5: {  	_ = 	snop  }
0x6: {  	_ = 	snop  }
0x7: {  	_ = 	snop  }
__scs_overlays_trampoline_lowered:
0x8: {  	[smem:$0x3FAB] =	sst s0  }
0x9: {  	[smem:$0x3FAC] =	sst s1  }
0xa: {  	[smem:$0x3FAD] =	sst s2  }
0xb: {  	[smem:$0x3FAE] =	sst s3  }
0xc: {  	[smem:$0x3FAF] =	sst s4  }
0xd: {  	[smem:$0x3FB0] =	sst s5  }
0xe: {  	[smem:$0x3FB1] =	sst s6  }
0xf: {  	[smem:$0x3FB2] =	sst s7  }
0x10: {  	[smem:$0x3FB3] =	sst s8  }
0x11: {  	[smem:$0x3FB4] =	sst s9;
	s0 =	simm.s32 @!p0 $0x0  }
0x12: {  	s1 =	sld [smem:$0x3F9A];
	s0 =	simm.s32 @p0 $0x1  }
0x13: {  	[smem:$0x3FB5] =	sst s0;
	s0 =	simm.s32 @!p1 $0x0  }
0x14: {  	s2 =	sld [smem:$0x3F99];
	s0 =	simm.s32 @p1 $0x1  }
0x15: {  	[smem:$0x3FB6] =	sst s0;
	s0 =	simm.s32 @!p2 $0x0  }
0x16: {  	s3 =	sld [smem:$0x3FDB];
	s0 =	simm.s32 @p2 $0x1  }
0x17: {  	s4 =	simm.s32 $0x1BF5;
	[smem:$0x3FB8] =	sst s0  }
0x18: {  	s0 =	sld [smem:$0x3F9B];
	_ =	swait.ge [sflag:s4], $0x0  }
0x19: {  	s7 =	sld [smem:$0x3F9C]  }
0x1a: {  	s8 =	sadd.s32 $0xFFFFE003, lr  }
0x1b: {  	s9 =	sadd.s32 $0xFFFFFEF7, lr;
	s5 =	simm.s32 $0xFFFFFFFF;
	p2 =	slt.u32 s8, $0xFFFFF086  }
0x1c: {  	p1 =	slt.u32 s9, $0xF7A;
	s5 =	simm.s32 @!p2 $0x0  }
0x1d: {  	s5 =	simm.s32 @p1 $0x1;
	p0 =	seq.s32 s7, s2  }
0x1e: {  	s7 =	smul.u32 @!p0 $0xF7A, s2;
	p2 =	seq.s32 @!p0 s5, $0x0  }
0x1f: {  	s9 =	smul.u32 $0xF7A, s1;
	s8 =	simm.s32 @!p0 $0x1BF5;
	p2 =	por !p2, p0  }
0x20: {  	[sflag:s8] =	ssyncset.s32 @!p0 $0xFFFFF086;
	s6 =	sadd.s32 @!p0 s3, s7;
	s7 =	simm.s32 @!p0 $0x108  }
0x21: {  	s3 =	sadd.s32 s3, s9;
	s6 =	sadd.s32 @!p0 $0x88, s6;
	s7 =	simm.s32 @p2 $0x1082  }
0x22: {  	[simem:s7], [sflag:s8] =	dma.local @!p0 [hbm:s6], $0xF7A  }
0x23: {  	s9 =	sor.u32 $0xD0000000, s2;
	s6 =	simm.s32 $0x108;
	_ =	swait.ge @!p0 [sflag:s8], $0x0  }
0x24: {  	s3 =	sadd.s32 $0x88, s3;
	s6 =	simm.s32 @!p1 $0x1082;
	[sflag:s4] =	ssyncset.s32 $0xFFFFF086  }
0x25: {  	[simem:s6], [sflag:s4] =	dma.local [hbm:s3], $0xF7A  }
0x26: {  	[smem:$0x3F9C] =	sst s1;
	(tag) =	ssettag s2;
	_ =	strace s9  }
0x27: {  	s1 =	sld [smem:$0x3FAC]  }
0x28: {  	s2 =	sld [smem:$0x3FAD]  }
0x29: {  	s4 =	sld [smem:$0x3FAF]  }
0x2a: {  	p0 =	seq.s32 s5, $0x0;
	s5 =	sld [smem:$0x3FB0]  }
0x2b: {  	s6 =	sld [smem:$0x3FB1]  }
0x2c: {  	s7 =	sld [smem:$0x3FB2]  }
0x2d: {  	s3 =	simm.s32 $0x108;
	s8 =	sld [smem:$0x3FB3]  }
0x2e: {  	s3 =	simm.s32 @!p0 $0x1082;
	s9 =	sld [smem:$0x3FB4]  }
0x2f: {  	lr =	sadd.s32 s0, s3;
	s0 =	sld [smem:$0x3FAB]  }
0x30: {  	s3 =	sld [smem:$0x3FAE]  }
0x31: {  	[smem:$0x3FB7] =	sst s10  }
0x32: {  	s10 =	sld [smem:$0x3FB5];
	_ =	sdelay $0x3  }
0x33: {  	p0 =	seq.s32 s10, $0x1;
	s10 =	sld [smem:$0x3FB7];
	_ =	sdelay $0x3  }
0x34: {  	[smem:$0x3FB7] =	sst s10  }
0x35: {  	s10 =	sld [smem:$0x3FB6];
	_ =	sdelay $0x3  }
0x36: {  	p1 =	seq.s32 s10, $0x1;
	s10 =	sld [smem:$0x3FB7];
	_ =	sdelay $0x3  }
0x37: {  	[smem:$0x3FB7] =	sst s10  }
0x38: {  	s10 =	sld [smem:$0x3FB8]  }
0x39: {  	_ = 	snop;
	(pc) =	sbr.ind lr, $3  }
0x3a: {  	_ = 	snop  }
0x3b: {  	_ = 	snop  }
0x3c: {  	p2 =	seq.s32 s10, $0x1;
	s10 =	sld [smem:$0x3FB7]  }
0x3d: {  	_ =	shalt  }
0x3e: {  	_ =	shalt  }
0x3f: {  	_ =	shalt  }
0x40: {  	_ =	shalt  }
0x41: {  	_ =	shalt  }
0x42: {  	_ =	shalt  }
0x43: {  	_ =	shalt  }
0x44: {  	_ =	shalt  }
0x45: {  	_ =	shalt  }
0x46: {  	_ =	shalt  }
0x47: {  	_ =	shalt  }
0x48: {  	_ =	shalt  }
0x49: {  	_ =	shalt  }
0x4a: {  	_ =	shalt  }
0x4b: {  	_ =	shalt  }
0x4c: {  	_ =	shalt  }
0x4d: {  	_ =	shalt  }
0x4e: {  	_ =	shalt  }
0x4f: {  	_ =	shalt  }
0x50: {  	_ =	shalt  }
0x51: {  	_ =	shalt  }
0x52: {  	_ =	shalt  }
0x53: {  	_ =	shalt  }
0x54: {  	_ =	shalt  }
0x55: {  	_ =	shalt  }
0x56: {  	_ =	shalt  }
0x57: {  	_ =	shalt  }
0x58: {  	_ =	shalt  }
0x59: {  	_ =	shalt  }
0x5a: {  	_ =	shalt  }
0x5b: {  	_ =	shalt  }
0x5c: {  	_ =	shalt  }
0x5d: {  	_ =	shalt  }
0x5e: {  	_ =	shalt  }
0x5f: {  	_ =	shalt  }
0x60: {  	_ =	shalt  }
0x61: {  	_ =	shalt  }
0x62: {  	_ =	shalt  }
0x63: {  	_ =	shalt  }
0x64: {  	_ =	shalt  }
0x65: {  	_ =	shalt  }
0x66: {  	_ =	shalt  }
0x67: {  	_ =	shalt  }
0x68: {  	_ =	shalt  }
0x69: {  	_ =	shalt  }
0x6a: {  	_ =	shalt  }
0x6b: {  	_ =	shalt  }
0x6c: {  	_ =	shalt  }
0x6d: {  	_ =	shalt  }
0x6e: {  	_ =	shalt  }
0x6f: {  	_ =	shalt  }
0x70: {  	_ =	shalt  }
0x71: {  	_ =	shalt  }
0x72: {  	_ =	shalt  }
0x73: {  	_ =	shalt  }
0x74: {  	_ =	shalt  }
0x75: {  	_ =	shalt  }
0x76: {  	_ =	shalt  }
0x77: {  	_ =	shalt  }
0x78: {  	_ =	shalt  }
0x79: {  	_ =	shalt  }
0x7a: {  	_ =	shalt  }
0x7b: {  	_ =	shalt  }
0x7c: {  	_ =	shalt  }
0x7d: {  	_ =	shalt  }
0x7e: {  	_ =	shalt  }
0x7f: {  	_ =	shalt  }
0x80: {  	_ =	shalt  }
0x81: {  	_ =	shalt  }
0x82: {  	_ =	shalt  }
0x83: {  	_ =	shalt  }
0x84: {  	_ =	shalt  }
0x85: {  	_ =	shalt  }
0x86: {  	_ =	shalt  }
0x87: {  	_ =	shalt  }
.Lfunc_end0:
.L_simem_size_0:
called_computation.1_lowered:
.L_overlay_start_0:
0x88: {  	s2 =	sld [smem:$0x3FD9]  }
0x89: {  	s3 =	sld [smem:$0x3FFE];
	_ =	sdelay $0x1  }
0x8a: {  	s1 =	srdreg.scid  }
0x8b: {  	s0 =	sand.u32 $0x1, s1  }
0x8c: {  	s17 =	sshll.u32 s0, $0xA;
	s2 =	sadd.s32 s3, s2  }
0x8d: {  	s2 =	sadd.s32 s2, s17  }
0x8e: {  	[smem:$0x3FC3] =	sst s2  }
0x8f: {  	_ = 	snop  }
0x90: {  	s2 =	sld [smem:$0x3FC7]  }
0x91: {  	s18 =	sld [smem:$0x3FC6]  }
0x92: {  	s4 =	sld [smem:$0x3FD0];
	(tm) =	ssettm $0x1  }
0x93: {  	s5 =	sld [smem:$0x3FFB];
	_ =	sdelay $0x3  }
0x94: {  	_ =	strace s5  }
0x95: {  	s5 =	sld [smem:$0x3FFC];
	_ =	sdelay $0x3  }
0x96: {  	_ =	strace s5  }
0x97: {  	s5 =	sld [smem:$0x3FFD];
	_ =	sdelay $0x3  }
0x98: {  	_ =	strace s5  }
0x99: {  	_ =	strace $0x8FFFFFFF  }
0x9a: {  	s19 =	sld [smem:$0x3FDB];
	_ =	sdelay $0x1  }
0x9b: {  	s6 =	simm.s32 $_scs_section_size  }
0x9c: {  	s7 =	simm.s32 $_size__tile_overlayer_lowered;
	s8 =	simm.s32 $_tile_overlayer_lowered  }
0x9d: {  	s22 =	simm.s32 $0x1BFF;
	s21 =	sshll.u32 s8, $0x1;
	s5 =	sadd.s32 s6, s19  }
0x9e: {  	s9 =	simm.s32 $0x0;
	s20 =	sshll.u32 s7, $0x1;
	s7 =	sadd.s32 s21, s5  }
0x9f: {  	[timem:s9], [sflag:s22] =	dma.local [hbm:s7], s20  }
0xa0: {  	_ =	swait.ge [sflag:s22], s20  }
0xa1: {  	s6 =	ssub.s32 $0x0, s20;
	[sflag:s22] =	ssyncset.done $0x0  }
0xa2: {  	[sflag:s22] =	ssyncadd.s32 s6;
	_ =	sdelay $0x1  }
0xa3: {  	s23 =	simm.s32 $0x1B8B  }
0xa4: {  	_ =	swait.ge [sflag:s23], $0x1  }
0xa5: {  	[sflag:s23] =	ssyncset.done $0x0  }
0xa6: {  	s25 =	simm.s32 $0x1B8E;
	s24 =	sld [smem:$0x3FFE];
	[sflag:s23] =	ssyncadd.s32 $0xFFFFFFFF  }
0xa7: {  	s26 =	simm.s32 $execute0_lowered;
	[smem:$0x3FD2] =	sst s25  }
0xa8: {  	s7 =	sshll.u32 s26, $0x1;
	_ =	strace $0x80000046;
	[dreg:$0x1] =	wrdreg $0xFFFFFFFF  }
0xa9: {  	s28 =	simm.s32 $_size_execute0_lowered;
	s5 =	sadd.s32 s5, s7;
	[dreg:$0x0] =	wrdreg $0x0  }
0xaa: {  	s7 =	sshll.u32 s28, $0x1;
	[dreg:$0x2] =	wrdreg s5  }
0xab: {  	[dreg:$0x3] =	wrdreg s7  }
0xac: {  	[dreg:$0x4] =	wrdreg $0xC0  }
0xad: {  	_ =	task [dreg:s9], $0x5FFFF  }
0xae: {  	[dreg:$0x1] =	wrdreg $0xFFFFFFFF  }
0xaf: {  	[dreg:$0x0] =	wrdreg $0x60  }
0xb0: {  	[dreg:$0x2] =	wrdreg s4  }
0xb1: {  	[dreg:$0x3] =	wrdreg s2  }
0xb2: {  	[dreg:$0x4] =	wrdreg s18  }
0xb3: {  	[dreg:$0x5] =	wrdreg s24  }
0xb4: {  	[dreg:$0x6] =	wrdreg $0x9  }
0xb5: {  	_ =	task.clear_ibuf [dreg:s9], $0x7FFFF;
	_ =	strace $0x90000046  }
0xb6: {  	s29 =	simm.s32 $0x9;
	_ =	strace $0x80000048  }
0xb7: {  	_ =	swait.ge [sflag:s29], $0x1  }
0xb8: {  	[sflag:s29] =	ssyncadd.s32 $0xFFFFFFFF  }
0xb9: {  	_ =	strace $0x90000048  }
0xba: {  	_ =	sfence  }
0xbb: {  	s30 =	sld [smem:$0x0];
	_ =	sdelay $0x2  }
0xbc: {  	s31 =	sshll.u32 s1, $0xD;
	s1 =	sshrl.u32 s1, $0x2  }
0xbd: {  	s3 =	sand.u32 $0x4000, s31;
	s1 =	sadd.s32 s1, s30  }
0xbe: {  	s0 =	sor.u32 s3, s0;
	s1 =	sshll.u32 s1, $0x11  }
0xbf: {  	s0 =	sor.u32 s1, s0  }
0xc0: {  	s0 =	sadd.s32 $0x8F2B, s0  }
0xc1: {  	[sflag:s0] =	ssyncadd.remote.s32 $0x1  }
0xc2: {  	_ =	sfence.sel $0xFFFF  }
0xc3: {  	[dreg:$0x0] =	wrdreg $0xFFFFFFFF;
	(pc) =	sbr.abs _section_cstart, $3  }
0xc4: {  	[dreg:$0x1] =	wrdreg $0xFFFFFFFF  }
0xc5: {  	_ =	task.clear_ibuf [dreg:s9], $0x2FFFF;
	_ =	strace $0x9FFFFFFF  }
0xc6: {  	(tm) =	ssettm $0x7FFFFFFF  }
0xc7: {  	_ =	shalt  }
tec
execute0_lowered:
.L_overlay_start_1:
0x0: {  	(tag) =	ssettag $0x1  }
0x1: {  	s1 =	rddreg [dreg:$0x0]  }
0x2: {  	s2 =	rddreg [dreg:$0x1]  }
0x3: {  	s3 =	rddreg [dreg:$0x2]  }
0x4: {  	s0 =	rddreg [dreg:$0x3];
	s4 =	simm.s32 $0x0  }
0x5: {  	s5 =	srdreg.scid;
	s11 =	simm.s32 $0x2000;
	s12 =	simm.s32 $0x1  }
0x6: {  	s13 =	simm.s32 $0x4000;
	s28 =	simm.s32 $0xD000;
	s29 =	simm.s32 $0xD800  }
0x7: {  	s30 =	simm.s32 $0xE000;
	s31 =	simm.s32 $0x2;
	s14 =	simm.s32 $0x4  }
0x8: {  	s15 =	simm.s32 $0x0;
	[smem:$0x7FF] =	sst s4;
	s7 =	sand.u32 $0x1, s5  }
.Ltmp0:
0x9: {  	s6 =	sadd.s32 $0x800, s0;
	s5 =	stileid.u32;
	(pc) =	sbr.rel .LBB2_1-.Ltmp0, $4  }
0xa: {  	s8 =	ssub.s32 $0x2, s7;
	s26 =	sshll.u32 s5, $0xC;
	s7 =	sshll.u32 s7, $0xB  }
0xb: {  	v1 =	vimm.s32 $0xFFFFFFFF;
	v2 =	vlaneseq.u32;
	v3 =	vimm.s32 $0x0;
	_ =	strace $0x80000047;
	s9 =	sshrl.u32 s8, $0x1;
	s7 =	sor.u32 s7, s26  }
0xc: {  	vm0 =	vmmov $0xffff;
	v4 =	vand.u32 $0x7, v2;
	v5 =	vshrl.u32 v2, $0x3;
	s26 =	simm.s32 $0xC800;
	s10 =	ssub.s32 s8, s9;
	s8 =	sadd.s32 $0x100, s1  }
0xd: {  	v6 =	vor.u32 $0x8, v2;
	v5 =	vmul.u32 $0x8, v5;
	s9 =	sadd.s32 $0x900, s0;
	v0 =	vmov s7;
	s0 =	simm.s32 $0x3;
	s10 =	smax.u32 s10, $0x1  }
.LBB2_28:
0xe: {  	[sflag:s14] =	ssyncadd.s32 $0xFFFFFFF0  }
.LBB2_29:
0xf: {  	s15 =	sadd.s32 $0x1, s15  }
0x10: {  	p0 =	sne.s32 s15, s10  }
.Ltmp1:
0x11: {  	_ = 	snop;
	(pc) =	sbr.rel @!p0 .LBB2_30-.Ltmp1, $1  }
0x12: {  	_ =	sdelay $0x3  }
.LBB2_1:
0x13: {  	[tilespmem:s4], [sflag:$0x1] =	stream.linear.gather [hbm4b:s2+s4], $0x2000, $0x38;
	[tilespmem:$0x16800] =	vst v63  }
0x14: {  	s16 =	simm.s32 $0x40;
	s17 =	simm.s32 $0x0  }
0x15: {  	[tilespmem:s11], [sflag:$0x1] =	stream.linear.gather [hbm4b:s3+s4], $0x2000, $0x38;
	[tilespmem:$0x16800] =	vst v63  }
.LBB2_2:
0x16: {  	p0 =	sne.s32 s16, $0x1FC0;
	[tilespmem:s17+$0x4000] =	vst v1;
	s17 =	smov.u32 s16;
	s16 =	sadd.s32 $0x40, s16  }
.Ltmp2:
0x17: {  	(pc) =	sbr.rel @p0 .LBB2_2-.Ltmp2, $2  }
0x18: {  	_ =	sdelay $0x2  }
0x19: {  	s17 =	sshra.s32 s17, $0x2  }
0x1a: {  	[tilespmem:s17+$0x4000] =	vst v1  }
0x1b: {  	_ =	swait.ge [sflag:s12], $0x2000  }
0x1c: {  	[sflag:s12] =	ssyncset.done $0x0  }
0x1d: {  	[sflag:s12] =	ssyncadd.s32 $0xFFFFE000  }
0x1e: {  	_ =	swait.ge [sflag:s12], $0x2000  }
0x1f: {  	[sflag:s12] =	ssyncset.done $0x0  }
0x20: {  	s16 =	simm.s32 $0x0;
	s18 =	simm.s32 $0x2000;
	[sflag:s12] =	ssyncadd.s32 $0xFFFFE000  }
0x21: {  	s19 =	simm.s32 $0x10;
	s17 =	simm.s32 $0x0;
	s20 =	simm.s32 $0x0;
	v7 =	vld [tilespmem:s16+$0x0]  }
.LBB2_4:
0x22: {  	p0 =	sne.s32 s19, $0x1FF0;
	v8 =	vld [tilespmem:s18+$0x0];
	_ =	sdelay $0x3  }
0x23: {  	v7 =	vshll.u32 v7, $0x8  }
0x24: {  	v7 =	vadd.s32 v8, v7  }
0x25: {  	(xrf1) =	vunique.msk.u32 $0xffff, v7;
	_ =	sdelay $0xc  }
0x26: {  	v7 =	vsub.s32 v7, v0  }
0x27: {  	vm1 =	vlt.u32 v7, $0x800;
	_, v8, vm2 =	vpop (xrf1)  }
0x28: {  	vm1 =	vmand vm2, vm1  }
0x29: {  	v7 =	vnsel vm1, $0x0, v7;
	_ =	sdelay $0x1  }
.Ltmp3:
0x2a: {  	(pc) =	sbr.rel @p0 .LBB2_4-.Ltmp3, $4  }
0x2b: {  	_ = 	snop  }
0x2c: {  	v8 =	vor.u32 s17, v2;
	s17 =	smov.u32 s19  }
0x2d: {  	s20 =	sadd.s32 $0x10, s20;
	[tilespmem:v7+s13+$0x0] =	vst.idx.msk vm1, v8  }
0x2e: {  	s18 =	sadd.s32 $0x10, s18;
	s19 =	sadd.s32 $0x10, s19;
	v7 =	vld [tilespmem:s20+$0x0]  }
0x2f: {  	v8 =	vld [tilespmem:s18+$0x0];
	_ =	sdelay $0x3  }
0x30: {  	v7 =	vshll.u32 v7, $0x8  }
0x31: {  	v7 =	vadd.s32 v8, v7  }
0x32: {  	(xrf1) =	vunique.msk.u32 $0xffff, v7;
	_ =	sdelay $0xc  }
0x33: {  	v7 =	vsub.s32 v7, v0  }
0x34: {  	vm1 =	vlt.u32 v7, $0x800;
	_, v8, vm2 =	vpop (xrf1)  }
0x35: {  	vm1 =	vmand vm2, vm1  }
0x36: {  	v7 =	vnsel vm1, $0x0, v7;
	_ =	sdelay $0x3  }
0x37: {  	v8 =	vor.u32 s17, v2  }
0x38: {  	s25 =	simm.s32 $0x0;
	[tilespmem:v7+s13+$0x0] =	vst.idx.msk vm1, v8  }
0x39: {  	v7 =	vld [tilespmem:s25+$0x4000];
	_ =	sdelay $0x4  }
0x3a: {  	vm1 =	vgt.s32 v7, $0xFFFFFFFF  }
0x3b: {  	v8 =	vsel vm1, $0x1, v3  }
0x3c: {  	(xrf0) =	vadd.scan.msk.s32 $0xffff, v8;
	_ =	sdelay $0x5  }
0x3d: {  	v8, _, _ =	vpop (xrf0)  }
0x3e: {  	(v2sf) =	vpush v8, $0xF  }
0x3f: {  	v9 =	vor.u32 s7, v2;
	[tilespmem:s16+$0x4800] =	vst.msk vm1, v7  }
0x40: {  	s19 =	simm.s32 $0x10;
	s18 =	simm.s32 $0x80;
	s17 =	smov.u32 s7;
	[tilespmem:s16+$0x5000] =	vst.msk vm1, v9  }
.LBB2_6:
0x41: {  	p0 =	sne.s32 s18, $0x1FC0;
	v7 =	vld [tilespmem:s19+$0x4000];
	_ =	sdelay $0x4  }
0x42: {  	vm1 =	vgt.s32 v7, $0xFFFFFFFF  }
0x43: {  	v8 =	vsel vm1, $0x1, v3  }
0x44: {  	(xrf0) =	vadd.scan.msk.s32 $0xffff, v8;
	_ =	sdelay $0x4  }
.Ltmp4:
0x45: {  	s19 =	spop (v2sf);
	(pc) =	sbr.rel @p0 .LBB2_6-.Ltmp4, $4  }
0x46: {  	s17 =	sadd.s32 $0x10, s17;
	v8, _, _ =	vpop (xrf0);
	s16 =	sadd.s32 s16, s19  }
0x47: {  	v9 =	vor.u32 s17, v2;
	[tilespmem:s16+$0x4800] =	vst.msk vm1, v7;
	(v2sf) =	vpush v8, $0xF  }
0x48: {  	[tilespmem:s16+$0x5000] =	vst.msk vm1, v9  }
0x49: {  	s19 =	sshra.s32 s18, $0x2;
	s18 =	sadd.s32 $0x40, s18  }
0x4a: {  	v7 =	vld [tilespmem:s19+$0x4000];
	_ =	sdelay $0x4  }
0x4b: {  	vm1 =	vgt.s32 v7, $0xFFFFFFFF  }
0x4c: {  	v8 =	vsel vm1, $0x1, v3  }
0x4d: {  	(xrf0) =	vadd.scan.msk.s32 $0xffff, v8;
	_ =	sdelay $0x5  }
0x4e: {  	v8, _, _ =	vpop (xrf0)  }
0x4f: {  	(v2sf) =	vpush v8, $0xF;
	_ =	sdelay $0xd  }
0x50: {  	s18 =	spop (v2sf)  }
0x51: {  	s18 =	sadd.s32 s16, s18;
	s25 =	spop (v2sf)  }
0x52: {  	s16 =	sadd.s32 s18, s25  }
0x53: {  	p0 =	slt.s32 s16, $0x1  }
.Ltmp5:
0x54: {  	_ = 	snop;
	(pc) =	sbr.rel @p0 .LBB2_29-.Ltmp5, $4  }
0x55: {  	_ = 	snop  }
0x56: {  	s17 =	sadd.s32 $0x10, s17  }
0x57: {  	v8 =	vor.u32 s17, v2;
	[tilespmem:s18+$0x4800] =	vst.msk vm1, v7  }
0x58: {  	[tilespmem:s18+$0x5000] =	vst.msk vm1, v8  }
0x59: {  	s17 =	sadd.s32 $0x3F, s16  }
0x5a: {  	s18 =	sand.u32 $0x3F, s17  }
0x5b: {  	s19 =	sshra.s32 s17, $0x1F;
	p0 =	slt.s32 s17, $0x1;
	p1 =	sne.s32 s18, $0x0  }
0x5c: {  	s25 =	sshrl.u32 s19, $0x1A;
	p0 =	por !p0, !p1  }
0x5d: {  	s18 =	simm.s32 $0x1;
	s17 =	sadd.s32 s25, s17;
	p0 =	por !p0, !p0  }
0x5e: {  	s17 =	sshra.s32 s17, $0x6;
	s18 =	simm.s32 @!p0 $0x0  }
0x5f: {  	s17 =	ssub.s32 s17, s18  }
0x60: {  	s18 =	sshll.u32 s17, $0x6  }
0x61: {  	s19 =	sshrl.u32 s16, $0x4;
	s18 =	sshra.s32 s18, $0x4  }
0x62: {  	p0 =	sge.s32 s19, s18  }
.Ltmp6:
0x63: {  	_ = 	snop;
	(pc) =	sbr.rel @p0 .LBB2_11-.Ltmp6, $1  }
0x64: {  	_ =	sdelay $0x3  }
0x65: {  	s21 =	sshll.u32 s19, $0x6  }
0x66: {  	v7 =	vld.msk [tilespmem:$0x5000 ss:$0x0], $0xffff;
	s25 =	sshra.s32 s21, $0x2  }
0x67: {  	v8 =	vld.msk [tilespmem:$0x4800 ss:$0x0], $0xffff;
	s21 =	sadd.s32 $0x5000, s25  }
0x68: {  	s20 =	ssub.s32 s19, s18;
	s18 =	sadd.s32 $0x4800, s25;
	v10 =	vld [tilespmem:s21+$0x0]  }
0x69: {  	s20 =	sadd.s32 $0x1, s20;
	v11 =	vld [tilespmem:s18+$0x0]  }
0x6a: {  	s19 =	sshll.u32 s19, $0x4;
	p0 =	seq.s32 s20, $0x0  }
.Ltmp7:
0x6b: {  	v9 =	vmov s16;
	v12 =	vor.u32 s19, v2;
	(pc) =	sbr.rel @p0 .LBB2_11-.Ltmp7, $4  }
0x6c: {  	vm1 =	vlt.s32 v12, v9  }
0x6d: {  	v10 =	vsel vm1, v10, v7  }
0x6e: {  	[tilespmem:s21+$0x0] =	vst v10;
	v10 =	vsel vm1, v11, v8  }
0x6f: {  	s21 =	sadd.s32 $0x10, s21;
	[tilespmem:s18+$0x0] =	vst v10  }
.LBB2_10:
0x70: {  	v10 =	vld [tilespmem:s21+$0x0];
	s18 =	sadd.s32 $0x10, s18  }
0x71: {  	s20 =	sadd.s32 $0x1, s20;
	v11 =	vld [tilespmem:s18+$0x0]  }
0x72: {  	s19 =	sadd.s32 $0x10, s19;
	p0 =	seq.s32 s20, $0x0  }
.Ltmp8:
0x73: {  	v12 =	vor.u32 s19, v2;
	(pc) =	sbr.rel @!p0 .LBB2_10-.Ltmp8, $4  }
0x74: {  	vm1 =	vlt.s32 v12, v9  }
0x75: {  	v10 =	vsel vm1, v10, v7  }
0x76: {  	[tilespmem:s21+$0x0] =	vst v10;
	v10 =	vsel vm1, v11, v8  }
0x77: {  	s21 =	sadd.s32 $0x10, s21;
	[tilespmem:s18+$0x0] =	vst v10  }
.LBB2_11:
0x78: {  	p0 =	sgt.s32 s17, $0x0  }
.Ltmp9:
0x79: {  	_ = 	snop;
	(pc) =	sbr.rel @!p0 .LBB2_18-.Ltmp9, $1  }
0x7a: {  	_ =	sdelay $0x3  }
0x7b: {  	p1 =	sne.s32 s17, $0x1  }
.Ltmp10:
0x7c: {  	_ = 	snop;
	(pc) =	sbr.rel @!p1 .LBB2_13-.Ltmp10, $3  }
0x7d: {  	_ =	sdelay $0x1  }
0x7e: {  	s19 =	simm.s32 $0x5020  }
0x7f: {  	s18 =	simm.s32 $0x5820;
	s20 =	sadd.s32 $0xFFFFFFFF, s17;
	p0 =	por $0x0, $0x0;
	v7 =	vld [tilespmem:s19+$0xFFFFFFE0]  }
0x80: {  	_ =	sdelay $0x3  }
0x81: {  	[tilespmem:s18+$0xFFFFFFE0] =	vst v7  }
0x82: {  	v7 =	vld [tilespmem:s19+$0xFFFFFFF0];
	_ =	sdelay $0x4  }
0x83: {  	[tilespmem:s18+$0xFFFFFFF0] =	vst v7  }
0x84: {  	v7 =	vld [tilespmem:s19+$0x0];
	_ =	sdelay $0x4  }
0x85: {  	[tilespmem:s18+$0x0] =	vst v7  }
0x86: {  	v7 =	vld [tilespmem:s19+$0x10]  }
0x87: {  	p1 =	sne.s32 s20, $0x1  }
.Ltmp11:
0x88: {  	_ = 	snop;
	(pc) =	sbr.rel @!p1 .LBB2_15-.Ltmp11, $3  }
0x89: {  	_ =	sdelay $0x1  }
0x8a: {  	s19 =	simm.s32 $0x5060;
	[tilespmem:s18+$0x10] =	vst v7  }
0x8b: {  	s21 =	sadd.s32 $0xFFFFFFFF, s20;
	p0 =	por $0x1, $0x1;
	s20 =	simm.s32 $0x5820;
	v7 =	vld [tilespmem:s19+$0xFFFFFFE0]  }
.LBB2_16:
0x8c: {  	p1 =	sne.s32 s21, $0x1;
	_ =	sdelay $0x2  }
0x8d: {  	s20 =	sadd.s32 $0x80, s20  }
0x8e: {  	[tilespmem:s20+$0xFFFFFFE0] =	vst v7  }
0x8f: {  	v7 =	vld [tilespmem:s19+$0xFFFFFFF0];
	_ =	sdelay $0x4  }
0x90: {  	[tilespmem:s20+$0xFFFFFFF0] =	vst v7  }
0x91: {  	v7 =	vld [tilespmem:s19+$0x0];
	_ =	sdelay $0x4  }
0x92: {  	[tilespmem:s20+$0x0] =	vst v7  }
0x93: {  	v7 =	vld [tilespmem:s19+$0x10];
	_ =	sdelay $0x1  }
.Ltmp12:
0x94: {  	(pc) =	sbr.rel @p1 .LBB2_16-.Ltmp12, $3  }
0x95: {  	_ =	sdelay $0x1  }
0x96: {  	s19 =	sadd.s32 $0x40, s19;
	[tilespmem:s20+$0x10] =	vst v7  }
0x97: {  	s21 =	sadd.s32 $0xFFFFFFFF, s21;
	v7 =	vld [tilespmem:s19+$0xFFFFFFE0]  }
.LBB2_17:
0x98: {  	_ =	sdelay $0x1  }
0x99: {  	s20 =	sadd.s32 @p0 $0x80, s20  }
0x9a: {  	s18 =	smov.u32 @p0 s20  }
0x9b: {  	[tilespmem:s18+$0xFFFFFFE0] =	vst v7  }
0x9c: {  	v7 =	vld [tilespmem:s19+$0xFFFFFFF0];
	_ =	sdelay $0x4  }
0x9d: {  	[tilespmem:s18+$0xFFFFFFF0] =	vst v7  }
0x9e: {  	v7 =	vld [tilespmem:s19+$0x0];
	_ =	sdelay $0x4  }
0x9f: {  	[tilespmem:s18+$0x0] =	vst v7  }
0xa0: {  	v7 =	vld [tilespmem:s19+$0x10];
	_ =	sdelay $0x4  }
0xa1: {  	[tilespmem:s18+$0x10] =	vst v7  }
.LBB2_18:
0xa2: {  	s18 =	sadd.s32 $0xF, s16  }
0xa3: {  	s19 =	sand.u32 $0xF, s18  }
0xa4: {  	s20 =	sshra.s32 s18, $0x1F;
	p0 =	slt.s32 s18, $0x0;
	p1 =	sne.s32 s19, $0x0  }
0xa5: {  	s25 =	sshrl.u32 s20, $0x1C;
	p0 =	por !p0, !p1  }
0xa6: {  	s19 =	simm.s32 $0x1;
	s18 =	sadd.s32 s25, s18;
	p0 =	por !p0, !p0  }
0xa7: {  	s18 =	sshra.s32 s18, $0x4;
	s19 =	simm.s32 @!p0 $0x0  }
0xa8: {  	s18 =	ssub.s32 s18, s19  }
0xa9: {  	p0 =	slt.s32 s18, $0x1  }
.Ltmp13:
0xaa: {  	_ = 	snop;
	(pc) =	sbr.rel @p0 .LBB2_21-.Ltmp13, $1  }
0xab: {  	_ =	sdelay $0x3  }
0xac: {  	s19 =	simm.s32 $0xF;
	s20 =	simm.s32 $0x5000;
	s21 =	simm.s32 $0x4800  }
.LBB2_20:
0xad: {  	v7 =	vld [tilespmem:s20+$0x0]  }
0xae: {  	v8 =	vld [tilespmem:s21+$0x0];
	_ =	sdelay $0x1  }
0xaf: {  	s22 =	sadd.s32 $0xFFFFFFF1, s19  }
0xb0: {  	p0 =	sge.s32 s22, s16  }
0xb1: {  	(v2sf) =	vpush @!p0 v7, $0x0  }
0xb2: {  	(v2sf) =	vpush @!p0 v8, $0x0;
	_ =	sdelay $0xd  }
0xb3: {  	s22 =	spop @!p0 (v2sf)  }
0xb4: {  	s23 =	sshrl.u32 @!p0 s22, $0x3;
	s24 =	spop @!p0 (v2sf)  }
0xb5: {  	s23 =	smul.u32 @!p0 $0x1400, s23;
	s25 =	sshrl.u32 @!p0 s24, $0x3  }
0xb6: {  	s22 =	sshll.u32 @!p0 s22, $0x7;
	s24 =	sshll.u32 @!p0 s24, $0x7;
	s25 =	smul.u32 @!p0 $0x1400, s25  }
0xb7: {  	s22 =	sand.u32 @!p0 $0x380, s22;
	s24 =	sand.u32 @!p0 $0x380, s24  }
0xb8: {  	s22 =	sor.u32 @!p0 s22, s23;
	s23 =	sor.u32 @!p0 s24, s25  }
0xb9: {  	s22 =	sadd.s32 @!p0 $0x1000, s22;
	s23 =	sadd.s32 @!p0 $0x1000, s23  }
0xba: {  	s24 =	sshll.u32 @!p0 s5, $0x6;
	s22 =	sshrl.u32 @!p0 s22, $0x3;
	s23 =	sshrl.u32 @!p0 s23, $0x3  }
0xbb: {  	s24 =	sor.u32 @!p0 $0x1C04, s24;
	s22 =	sadd.s32 @!p0 s6, s22;
	s23 =	sadd.s32 @!p0 s1, s23  }
0xbc: {  	[hbm:s22], [sflag:s24] =	dma.local @!p0 [hbm:s23], $0x10  }
0xbd: {  	s24 =	sadd.s32 $0xFFFFFFF2, s19  }
0xbe: {  	p0 =	sge.s32 s24, s16  }
0xbf: {  	(v2sf) =	vpush @!p0 v7, $0x1  }
0xc0: {  	(v2sf) =	vpush @!p0 v8, $0x1;
	_ =	sdelay $0xd  }
0xc1: {  	s22 =	spop @!p0 (v2sf)  }
0xc2: {  	s23 =	sshrl.u32 @!p0 s22, $0x3;
	s24 =	spop @!p0 (v2sf)  }
0xc3: {  	s23 =	smul.u32 @!p0 $0x1400, s23;
	s25 =	sshrl.u32 @!p0 s24, $0x3  }
0xc4: {  	s22 =	sshll.u32 @!p0 s22, $0x7;
	s24 =	sshll.u32 @!p0 s24, $0x7;
	s25 =	smul.u32 @!p0 $0x1400, s25  }
0xc5: {  	s22 =	sand.u32 @!p0 $0x380, s22;
	s24 =	sand.u32 @!p0 $0x380, s24  }
0xc6: {  	s22 =	sor.u32 @!p0 s22, s23;
	s23 =	sor.u32 @!p0 s24, s25  }
0xc7: {  	s22 =	sadd.s32 @!p0 $0x1000, s22;
	s24 =	sshll.u32 @!p0 s5, $0x6;
	s23 =	sadd.s32 @!p0 $0x1000, s23  }
0xc8: {  	s25 =	sadd.s32 $0xFFFFFFF3, s19;
	s22 =	sshrl.u32 @!p0 s22, $0x3;
	s23 =	sshrl.u32 @!p0 s23, $0x3  }
0xc9: {  	s24 =	sor.u32 @!p0 $0x1C04, s24;
	s22 =	sadd.s32 @!p0 s6, s22;
	s23 =	sadd.s32 @!p0 s1, s23  }
0xca: {  	[hbm:s22], [sflag:s24] =	dma.local @!p0 [hbm:s23], $0x10  }
0xcb: {  	p0 =	sge.s32 s25, s16  }
0xcc: {  	(v2sf) =	vpush @!p0 v7, $0x2  }
0xcd: {  	(v2sf) =	vpush @!p0 v8, $0x2;
	_ =	sdelay $0xd  }
0xce: {  	s22 =	spop @!p0 (v2sf)  }
0xcf: {  	s23 =	sshrl.u32 @!p0 s22, $0x3;
	s24 =	spop @!p0 (v2sf)  }
0xd0: {  	s23 =	smul.u32 @!p0 $0x1400, s23;
	s25 =	sshrl.u32 @!p0 s24, $0x3  }
0xd1: {  	s22 =	sshll.u32 @!p0 s22, $0x7;
	s24 =	sshll.u32 @!p0 s24, $0x7;
	s25 =	smul.u32 @!p0 $0x1400, s25  }
0xd2: {  	s22 =	sand.u32 @!p0 $0x380, s22;
	s24 =	sand.u32 @!p0 $0x380, s24  }
0xd3: {  	s22 =	sor.u32 @!p0 s22, s23;
	s23 =	sor.u32 @!p0 s24, s25  }
0xd4: {  	s22 =	sadd.s32 @!p0 $0x1000, s22;
	s23 =	sadd.s32 @!p0 $0x1000, s23  }
0xd5: {  	s24 =	sshll.u32 @!p0 s5, $0x6;
	s22 =	sshrl.u32 @!p0 s22, $0x3;
	s23 =	sshrl.u32 @!p0 s23, $0x3  }
0xd6: {  	s24 =	sor.u32 @!p0 $0x1C04, s24;
	s22 =	sadd.s32 @!p0 s6, s22;
	s23 =	sadd.s32 @!p0 s1, s23  }
0xd7: {  	[hbm:s22], [sflag:s24] =	dma.local @!p0 [hbm:s23], $0x10  }
0xd8: {  	s23 =	sadd.s32 $0xFFFFFFF4, s19  }
0xd9: {  	p0 =	sge.s32 s23, s16  }
0xda: {  	(v2sf) =	vpush @!p0 v7, $0x3  }
0xdb: {  	(v2sf) =	vpush @!p0 v8, $0x3;
	_ =	sdelay $0xd  }
0xdc: {  	s22 =	spop @!p0 (v2sf)  }
0xdd: {  	s23 =	sshrl.u32 @!p0 s22, $0x3;
	s24 =	spop @!p0 (v2sf)  }
0xde: {  	s23 =	smul.u32 @!p0 $0x1400, s23;
	s25 =	sshrl.u32 @!p0 s24, $0x3  }
0xdf: {  	s22 =	sshll.u32 @!p0 s22, $0x7;
	s24 =	sshll.u32 @!p0 s24, $0x7;
	s25 =	smul.u32 @!p0 $0x1400, s25  }
0xe0: {  	s22 =	sand.u32 @!p0 $0x380, s22;
	s24 =	sand.u32 @!p0 $0x380, s24  }
0xe1: {  	s22 =	sor.u32 @!p0 s22, s23;
	s23 =	sor.u32 @!p0 s24, s25  }
0xe2: {  	s22 =	sadd.s32 @!p0 $0x1000, s22;
	s23 =	sadd.s32 @!p0 $0x1000, s23  }
0xe3: {  	s24 =	sshll.u32 @!p0 s5, $0x6;
	s22 =	sshrl.u32 @!p0 s22, $0x3;
	s23 =	sshrl.u32 @!p0 s23, $0x3  }
0xe4: {  	s24 =	sor.u32 @!p0 $0x1C04, s24;
	s22 =	sadd.s32 @!p0 s6, s22;
	s23 =	sadd.s32 @!p0 s1, s23  }
0xe5: {  	[hbm:s22], [sflag:s24] =	dma.local @!p0 [hbm:s23], $0x10  }
0xe6: {  	s24 =	sadd.s32 $0xFFFFFFF5, s19  }
0xe7: {  	p0 =	sge.s32 s24, s16  }
0xe8: {  	(v2sf) =	vpush @!p0 v7, $0x4  }
0xe9: {  	(v2sf) =	vpush @!p0 v8, $0x4;
	_ =	sdelay $0xd  }
0xea: {  	s22 =	spop @!p0 (v2sf)  }
0xeb: {  	s23 =	sshrl.u32 @!p0 s22, $0x3;
	s24 =	spop @!p0 (v2sf)  }
0xec: {  	s23 =	smul.u32 @!p0 $0x1400, s23;
	s25 =	sshrl.u32 @!p0 s24, $0x3  }
0xed: {  	s22 =	sshll.u32 @!p0 s22, $0x7;
	s24 =	sshll.u32 @!p0 s24, $0x7;
	s25 =	smul.u32 @!p0 $0x1400, s25  }
0xee: {  	s22 =	sand.u32 @!p0 $0x380, s22;
	s24 =	sand.u32 @!p0 $0x380, s24  }
0xef: {  	s22 =	sor.u32 @!p0 s22, s23;
	s23 =	sor.u32 @!p0 s24, s25  }
0xf0: {  	s22 =	sadd.s32 @!p0 $0x1000, s22;
	s24 =	sshll.u32 @!p0 s5, $0x6;
	s23 =	sadd.s32 @!p0 $0x1000, s23  }
0xf1: {  	s25 =	sadd.s32 $0xFFFFFFF6, s19;
	s22 =	sshrl.u32 @!p0 s22, $0x3;
	s23 =	sshrl.u32 @!p0 s23, $0x3  }
0xf2: {  	s24 =	sor.u32 @!p0 $0x1C04, s24;
	s22 =	sadd.s32 @!p0 s6, s22;
	s23 =	sadd.s32 @!p0 s1, s23  }
0xf3: {  	[hbm:s22], [sflag:s24] =	dma.local @!p0 [hbm:s23], $0x10  }
0xf4: {  	p0 =	sge.s32 s25, s16  }
0xf5: {  	(v2sf) =	vpush @!p0 v7, $0x5  }
0xf6: {  	(v2sf) =	vpush @!p0 v8, $0x5;
	_ =	sdelay $0xd  }
0xf7: {  	s22 =	spop @!p0 (v2sf)  }
0xf8: {  	s23 =	sshrl.u32 @!p0 s22, $0x3;
	s24 =	spop @!p0 (v2sf)  }
0xf9: {  	s23 =	smul.u32 @!p0 $0x1400, s23;
	s25 =	sshrl.u32 @!p0 s24, $0x3  }
0xfa: {  	s22 =	sshll.u32 @!p0 s22, $0x7;
	s24 =	sshll.u32 @!p0 s24, $0x7;
	s25 =	smul.u32 @!p0 $0x1400, s25  }
0xfb: {  	s22 =	sand.u32 @!p0 $0x380, s22;
	s24 =	sand.u32 @!p0 $0x380, s24  }
0xfc: {  	s22 =	sor.u32 @!p0 s22, s23;
	s23 =	sor.u32 @!p0 s24, s25  }
0xfd: {  	s22 =	sadd.s32 @!p0 $0x1000, s22;
	s23 =	sadd.s32 @!p0 $0x1000, s23  }
0xfe: {  	s24 =	sshll.u32 @!p0 s5, $0x6;
	s22 =	sshrl.u32 @!p0 s22, $0x3;
	s23 =	sshrl.u32 @!p0 s23, $0x3  }
0xff: {  	s24 =	sor.u32 @!p0 $0x1C04, s24;
	s22 =	sadd.s32 @!p0 s6, s22;
	s23 =	sadd.s32 @!p0 s1, s23  }
0x100: {  	[hbm:s22], [sflag:s24] =	dma.local @!p0 [hbm:s23], $0x10  }
0x101: {  	s23 =	sadd.s32 $0xFFFFFFF7, s19  }
0x102: {  	p0 =	sge.s32 s23, s16  }
0x103: {  	(v2sf) =	vpush @!p0 v7, $0x6  }
0x104: {  	(v2sf) =	vpush @!p0 v8, $0x6;
	_ =	sdelay $0xd  }
0x105: {  	s22 =	spop @!p0 (v2sf)  }
0x106: {  	s23 =	sshrl.u32 @!p0 s22, $0x3;
	s24 =	spop @!p0 (v2sf)  }
0x107: {  	s23 =	smul.u32 @!p0 $0x1400, s23;
	s25 =	sshrl.u32 @!p0 s24, $0x3  }
0x108: {  	s22 =	sshll.u32 @!p0 s22, $0x7;
	s24 =	sshll.u32 @!p0 s24, $0x7;
	s25 =	smul.u32 @!p0 $0x1400, s25  }
0x109: {  	s22 =	sand.u32 @!p0 $0x380, s22;
	s24 =	sand.u32 @!p0 $0x380, s24  }
0x10a: {  	s22 =	sor.u32 @!p0 s22, s23;
	s23 =	sor.u32 @!p0 s24, s25  }
0x10b: {  	s22 =	sadd.s32 @!p0 $0x1000, s22;
	s23 =	sadd.s32 @!p0 $0x1000, s23  }
0x10c: {  	s24 =	sshll.u32 @!p0 s5, $0x6;
	s22 =	sshrl.u32 @!p0 s22, $0x3;
	s23 =	sshrl.u32 @!p0 s23, $0x3  }
0x10d: {  	s24 =	sor.u32 @!p0 $0x1C04, s24;
	s22 =	sadd.s32 @!p0 s6, s22;
	s23 =	sadd.s32 @!p0 s1, s23  }
0x10e: {  	[hbm:s22], [sflag:s24] =	dma.local @!p0 [hbm:s23], $0x10  }
0x10f: {  	s24 =	sadd.s32 $0xFFFFFFF8, s19  }
0x110: {  	p0 =	sge.s32 s24, s16  }
0x111: {  	(v2sf) =	vpush @!p0 v7, $0x7  }
0x112: {  	(v2sf) =	vpush @!p0 v8, $0x7;
	_ =	sdelay $0xd  }
0x113: {  	s22 =	spop @!p0 (v2sf)  }
0x114: {  	s23 =	sshrl.u32 @!p0 s22, $0x3;
	s24 =	spop @!p0 (v2sf)  }
0x115: {  	s23 =	smul.u32 @!p0 $0x1400, s23;
	s25 =	sshrl.u32 @!p0 s24, $0x3  }
0x116: {  	s22 =	sshll.u32 @!p0 s22, $0x7;
	s24 =	sshll.u32 @!p0 s24, $0x7;
	s25 =	smul.u32 @!p0 $0x1400, s25  }
0x117: {  	s22 =	sand.u32 @!p0 $0x380, s22;
	s24 =	sand.u32 @!p0 $0x380, s24  }
0x118: {  	s22 =	sor.u32 @!p0 s22, s23;
	s23 =	sor.u32 @!p0 s24, s25  }
0x119: {  	s22 =	sadd.s32 @!p0 $0x1000, s22;
	s24 =	sshll.u32 @!p0 s5, $0x6;
	s23 =	sadd.s32 @!p0 $0x1000, s23  }
0x11a: {  	s25 =	sadd.s32 $0xFFFFFFF9, s19;
	s22 =	sshrl.u32 @!p0 s22, $0x3;
	s23 =	sshrl.u32 @!p0 s23, $0x3  }
0x11b: {  	s24 =	sor.u32 @!p0 $0x1C04, s24;
	s22 =	sadd.s32 @!p0 s6, s22;
	s23 =	sadd.s32 @!p0 s1, s23  }
0x11c: {  	[hbm:s22], [sflag:s24] =	dma.local @!p0 [hbm:s23], $0x10  }
0x11d: {  	p0 =	sge.s32 s25, s16  }
0x11e: {  	(v2sf) =	vpush @!p0 v7, $0x8  }
0x11f: {  	(v2sf) =	vpush @!p0 v8, $0x8;
	_ =	sdelay $0xd  }
0x120: {  	s22 =	spop @!p0 (v2sf)  }
0x121: {  	s23 =	sshrl.u32 @!p0 s22, $0x3;
	s24 =	spop @!p0 (v2sf)  }
0x122: {  	s23 =	smul.u32 @!p0 $0x1400, s23;
	s25 =	sshrl.u32 @!p0 s24, $0x3  }
0x123: {  	s22 =	sshll.u32 @!p0 s22, $0x7;
	s24 =	sshll.u32 @!p0 s24, $0x7;
	s25 =	smul.u32 @!p0 $0x1400, s25  }
0x124: {  	s22 =	sand.u32 @!p0 $0x380, s22;
	s24 =	sand.u32 @!p0 $0x380, s24  }
0x125: {  	s22 =	sor.u32 @!p0 s22, s23;
	s23 =	sor.u32 @!p0 s24, s25  }
0x126: {  	s22 =	sadd.s32 @!p0 $0x1000, s22;
	s23 =	sadd.s32 @!p0 $0x1000, s23  }
0x127: {  	s24 =	sshll.u32 @!p0 s5, $0x6;
	s22 =	sshrl.u32 @!p0 s22, $0x3;
	s23 =	sshrl.u32 @!p0 s23, $0x3  }
0x128: {  	s24 =	sor.u32 @!p0 $0x1C04, s24;
	s22 =	sadd.s32 @!p0 s6, s22;
	s23 =	sadd.s32 @!p0 s1, s23  }
0x129: {  	[hbm:s22], [sflag:s24] =	dma.local @!p0 [hbm:s23], $0x10  }
0x12a: {  	s23 =	sadd.s32 $0xFFFFFFFA, s19  }
0x12b: {  	p0 =	sge.s32 s23, s16  }
0x12c: {  	(v2sf) =	vpush @!p0 v7, $0x9  }
0x12d: {  	(v2sf) =	vpush @!p0 v8, $0x9;
	_ =	sdelay $0xd  }
0x12e: {  	s22 =	spop @!p0 (v2sf)  }
0x12f: {  	s23 =	sshrl.u32 @!p0 s22, $0x3;
	s24 =	spop @!p0 (v2sf)  }
0x130: {  	s23 =	smul.u32 @!p0 $0x1400, s23;
	s25 =	sshrl.u32 @!p0 s24, $0x3  }
0x131: {  	s22 =	sshll.u32 @!p0 s22, $0x7;
	s24 =	sshll.u32 @!p0 s24, $0x7;
	s25 =	smul.u32 @!p0 $0x1400, s25  }
0x132: {  	s22 =	sand.u32 @!p0 $0x380, s22;
	s24 =	sand.u32 @!p0 $0x380, s24  }
0x133: {  	s22 =	sor.u32 @!p0 s22, s23;
	s23 =	sor.u32 @!p0 s24, s25  }
0x134: {  	s22 =	sadd.s32 @!p0 $0x1000, s22;
	s23 =	sadd.s32 @!p0 $0x1000, s23  }
0x135: {  	s24 =	sshll.u32 @!p0 s5, $0x6;
	s22 =	sshrl.u32 @!p0 s22, $0x3;
	s23 =	sshrl.u32 @!p0 s23, $0x3  }
0x136: {  	s24 =	sor.u32 @!p0 $0x1C04, s24;
	s22 =	sadd.s32 @!p0 s6, s22;
	s23 =	sadd.s32 @!p0 s1, s23  }
0x137: {  	[hbm:s22], [sflag:s24] =	dma.local @!p0 [hbm:s23], $0x10  }
0x138: {  	s24 =	sadd.s32 $0xFFFFFFFB, s19  }
0x139: {  	p0 =	sge.s32 s24, s16  }
0x13a: {  	(v2sf) =	vpush @!p0 v7, $0xA  }
0x13b: {  	(v2sf) =	vpush @!p0 v8, $0xA;
	_ =	sdelay $0xd  }
0x13c: {  	s22 =	spop @!p0 (v2sf)  }
0x13d: {  	s23 =	sshrl.u32 @!p0 s22, $0x3;
	s24 =	spop @!p0 (v2sf)  }
0x13e: {  	s23 =	smul.u32 @!p0 $0x1400, s23;
	s25 =	sshrl.u32 @!p0 s24, $0x3  }
0x13f: {  	s22 =	sshll.u32 @!p0 s22, $0x7;
	s24 =	sshll.u32 @!p0 s24, $0x7;
	s25 =	smul.u32 @!p0 $0x1400, s25  }
0x140: {  	s22 =	sand.u32 @!p0 $0x380, s22;
	s24 =	sand.u32 @!p0 $0x380, s24  }
0x141: {  	s22 =	sor.u32 @!p0 s22, s23;
	s23 =	sor.u32 @!p0 s24, s25  }
0x142: {  	s22 =	sadd.s32 @!p0 $0x1000, s22;
	s24 =	sshll.u32 @!p0 s5, $0x6;
	s23 =	sadd.s32 @!p0 $0x1000, s23  }
0x143: {  	s25 =	sadd.s32 $0xFFFFFFFC, s19;
	s22 =	sshrl.u32 @!p0 s22, $0x3;
	s23 =	sshrl.u32 @!p0 s23, $0x3  }
0x144: {  	s24 =	sor.u32 @!p0 $0x1C04, s24;
	s22 =	sadd.s32 @!p0 s6, s22;
	s23 =	sadd.s32 @!p0 s1, s23  }
0x145: {  	[hbm:s22], [sflag:s24] =	dma.local @!p0 [hbm:s23], $0x10  }
0x146: {  	p0 =	sge.s32 s25, s16  }
0x147: {  	(v2sf) =	vpush @!p0 v7, $0xB  }
0x148: {  	(v2sf) =	vpush @!p0 v8, $0xB;
	_ =	sdelay $0xd  }
0x149: {  	s22 =	spop @!p0 (v2sf)  }
0x14a: {  	s23 =	sshrl.u32 @!p0 s22, $0x3;
	s24 =	spop @!p0 (v2sf)  }
0x14b: {  	s23 =	smul.u32 @!p0 $0x1400, s23;
	s25 =	sshrl.u32 @!p0 s24, $0x3  }
0x14c: {  	s22 =	sshll.u32 @!p0 s22, $0x7;
	s24 =	sshll.u32 @!p0 s24, $0x7;
	s25 =	smul.u32 @!p0 $0x1400, s25  }
0x14d: {  	s22 =	sand.u32 @!p0 $0x380, s22;
	s24 =	sand.u32 @!p0 $0x380, s24  }
0x14e: {  	s22 =	sor.u32 @!p0 s22, s23;
	s23 =	sor.u32 @!p0 s24, s25  }
0x14f: {  	s22 =	sadd.s32 @!p0 $0x1000, s22;
	s23 =	sadd.s32 @!p0 $0x1000, s23  }
0x150: {  	s24 =	sshll.u32 @!p0 s5, $0x6;
	s22 =	sshrl.u32 @!p0 s22, $0x3;
	s23 =	sshrl.u32 @!p0 s23, $0x3  }
0x151: {  	s24 =	sor.u32 @!p0 $0x1C04, s24;
	s22 =	sadd.s32 @!p0 s6, s22;
	s23 =	sadd.s32 @!p0 s1, s23  }
0x152: {  	[hbm:s22], [sflag:s24] =	dma.local @!p0 [hbm:s23], $0x10  }
0x153: {  	s23 =	sadd.s32 $0xFFFFFFFD, s19  }
0x154: {  	p0 =	sge.s32 s23, s16  }
0x155: {  	(v2sf) =	vpush @!p0 v7, $0xC  }
0x156: {  	(v2sf) =	vpush @!p0 v8, $0xC;
	_ =	sdelay $0xd  }
0x157: {  	s22 =	spop @!p0 (v2sf)  }
0x158: {  	s23 =	sshrl.u32 @!p0 s22, $0x3;
	s24 =	spop @!p0 (v2sf)  }
0x159: {  	s23 =	smul.u32 @!p0 $0x1400, s23;
	s25 =	sshrl.u32 @!p0 s24, $0x3  }
0x15a: {  	s22 =	sshll.u32 @!p0 s22, $0x7;
	s24 =	sshll.u32 @!p0 s24, $0x7;
	s25 =	smul.u32 @!p0 $0x1400, s25  }
0x15b: {  	s22 =	sand.u32 @!p0 $0x380, s22;
	s24 =	sand.u32 @!p0 $0x380, s24  }
0x15c: {  	s22 =	sor.u32 @!p0 s22, s23;
	s23 =	sor.u32 @!p0 s24, s25  }
0x15d: {  	s22 =	sadd.s32 @!p0 $0x1000, s22;
	s23 =	sadd.s32 @!p0 $0x1000, s23  }
0x15e: {  	s24 =	sshll.u32 @!p0 s5, $0x6;
	s22 =	sshrl.u32 @!p0 s22, $0x3;
	s23 =	sshrl.u32 @!p0 s23, $0x3  }
0x15f: {  	s24 =	sor.u32 @!p0 $0x1C04, s24;
	s22 =	sadd.s32 @!p0 s6, s22;
	s23 =	sadd.s32 @!p0 s1, s23  }
0x160: {  	[hbm:s22], [sflag:s24] =	dma.local @!p0 [hbm:s23], $0x10  }
0x161: {  	s24 =	sadd.s32 $0xFFFFFFFE, s19  }
0x162: {  	p0 =	sge.s32 s24, s16  }
0x163: {  	(v2sf) =	vpush @!p0 v7, $0xD  }
0x164: {  	(v2sf) =	vpush @!p0 v8, $0xD;
	_ =	sdelay $0xd  }
0x165: {  	s22 =	spop @!p0 (v2sf)  }
0x166: {  	s23 =	sshrl.u32 @!p0 s22, $0x3;
	s24 =	spop @!p0 (v2sf)  }
0x167: {  	s23 =	smul.u32 @!p0 $0x1400, s23;
	s25 =	sshrl.u32 @!p0 s24, $0x3  }
0x168: {  	s22 =	sshll.u32 @!p0 s22, $0x7;
	s24 =	sshll.u32 @!p0 s24, $0x7;
	s25 =	smul.u32 @!p0 $0x1400, s25  }
0x169: {  	s22 =	sand.u32 @!p0 $0x380, s22;
	s24 =	sand.u32 @!p0 $0x380, s24  }
0x16a: {  	s22 =	sor.u32 @!p0 s22, s23;
	s23 =	sor.u32 @!p0 s24, s25  }
0x16b: {  	s22 =	sadd.s32 @!p0 $0x1000, s22;
	s24 =	sshll.u32 @!p0 s5, $0x6;
	s23 =	sadd.s32 @!p0 $0x1000, s23  }
0x16c: {  	s25 =	sadd.s32 $0xFFFFFFFF, s19;
	s22 =	sshrl.u32 @!p0 s22, $0x3;
	s23 =	sshrl.u32 @!p0 s23, $0x3  }
0x16d: {  	s24 =	sor.u32 @!p0 $0x1C04, s24;
	s22 =	sadd.s32 @!p0 s6, s22;
	s23 =	sadd.s32 @!p0 s1, s23  }
0x16e: {  	[hbm:s22], [sflag:s24] =	dma.local @!p0 [hbm:s23], $0x10  }
0x16f: {  	p0 =	sge.s32 s25, s16  }
0x170: {  	(v2sf) =	vpush @!p0 v7, $0xE  }
0x171: {  	(v2sf) =	vpush @!p0 v8, $0xE;
	_ =	sdelay $0xd  }
0x172: {  	s22 =	spop @!p0 (v2sf)  }
0x173: {  	s23 =	sshrl.u32 @!p0 s22, $0x3;
	s24 =	spop @!p0 (v2sf)  }
0x174: {  	s23 =	smul.u32 @!p0 $0x1400, s23;
	s25 =	sshrl.u32 @!p0 s24, $0x3  }
0x175: {  	s22 =	sshll.u32 @!p0 s22, $0x7;
	s24 =	sshll.u32 @!p0 s24, $0x7;
	s25 =	smul.u32 @!p0 $0x1400, s25  }
0x176: {  	s22 =	sand.u32 @!p0 $0x380, s22;
	s24 =	sand.u32 @!p0 $0x380, s24  }
0x177: {  	s22 =	sor.u32 @!p0 s22, s23;
	s23 =	sor.u32 @!p0 s24, s25  }
0x178: {  	s22 =	sadd.s32 @!p0 $0x1000, s22;
	s23 =	sadd.s32 @!p0 $0x1000, s23  }
0x179: {  	s24 =	sshll.u32 @!p0 s5, $0x6;
	s22 =	sshrl.u32 @!p0 s22, $0x3;
	s23 =	sshrl.u32 @!p0 s23, $0x3  }
0x17a: {  	s24 =	sor.u32 @!p0 $0x1C04, s24;
	s22 =	sadd.s32 @!p0 s6, s22;
	s23 =	sadd.s32 @!p0 s1, s23  }
0x17b: {  	[hbm:s22], [sflag:s24] =	dma.local @!p0 [hbm:s23], $0x10  }
0x17c: {  	p0 =	sge.s32 s19, s16  }
0x17d: {  	(v2sf) =	vpush @!p0 v7, $0xF  }
0x17e: {  	(v2sf) =	vpush @!p0 v8, $0xF;
	_ =	sdelay $0xd  }
0x17f: {  	s22 =	spop @!p0 (v2sf)  }
0x180: {  	s23 =	sshrl.u32 @!p0 s22, $0x3;
	s24 =	spop @!p0 (v2sf)  }
0x181: {  	s23 =	smul.u32 @!p0 $0x1400, s23;
	s25 =	sshrl.u32 @!p0 s24, $0x3  }
0x182: {  	s22 =	sshll.u32 @!p0 s22, $0x7;
	s24 =	sshll.u32 @!p0 s24, $0x7;
	s25 =	smul.u32 @!p0 $0x1400, s25  }
0x183: {  	s22 =	sand.u32 @!p0 $0x380, s22;
	s24 =	sand.u32 @!p0 $0x380, s24  }
0x184: {  	s22 =	sor.u32 @!p0 s22, s23;
	s23 =	sor.u32 @!p0 s24, s25  }
0x185: {  	s18 =	sadd.s32 $0xFFFFFFFF, s18;
	s22 =	sadd.s32 @!p0 $0x1000, s22;
	s23 =	sadd.s32 @!p0 $0x1000, s23  }
0x186: {  	s24 =	sshll.u32 @!p0 s5, $0x6;
	s22 =	sshrl.u32 @!p0 s22, $0x3;
	s23 =	sshrl.u32 @!p0 s23, $0x3  }
0x187: {  	s24 =	sor.u32 @!p0 $0x1C04, s24;
	s22 =	sadd.s32 @!p0 s6, s22;
	s23 =	sadd.s32 @!p0 s1, s23  }
0x188: {  	[hbm:s22], [sflag:s24] =	dma.local @!p0 [hbm:s23], $0x10  }
0x189: {  	p0 =	sne.s32 s18, $0x0  }
.Ltmp14:
0x18a: {  	_ = 	snop;
	(pc) =	sbr.rel @p0 .LBB2_20-.Ltmp14, $2  }
0x18b: {  	_ =	sdelay $0x2  }
0x18c: {  	s20 =	sadd.s32 $0x10, s20;
	s21 =	sadd.s32 $0x10, s21;
	s19 =	sadd.s32 $0x10, s19  }
.LBB2_21:
0x18d: {  	v7 =	vld [tilespmem:$0x4800];
	_ =	sdelay $0x4  }
0x18e: {  	v8 =	vshrl.u32 v7, $0x3  }
0x18f: {  	v8 =	vmul.u32 $0x28, v8  }
0x190: {  	v7 =	vand.u32 $0x7, v7  }
0x191: {  	v7 =	vor.u32 v7, v8  }
0x192: {  	v8 =	vperm.xlane v7, v4;
	_ =	sdelay $0x1  }
0x193: {  	v8 =	vadd.s32 v5, v8;
	_ =	sdelay $0x1  }
0x194: {  	v7 =	vperm.xlane v7, v6;
	_ =	sdelay $0x1  }
0x195: {  	s18 =	simm.s32 $0x0;
	s19 =	simm.s32 $0x6800;
	v7 =	vadd.s32 v5, v7  }
0x196: {  	[tilespmem:s19], [sflag:$0x2] =	stream.indirect_vreg.gather [hbm4b:s1+s18], $0x80, v8, vm0, $0xb8;
	[tilespmem:$0x16800] =	vst v63  }
0x197: {  	s21 =	simm.s32 $0x7000  }
0x198: {  	[tilespmem:s21], [sflag:$0x2] =	stream.indirect_vreg.gather [hbm4b:s8+s18], $0x80, v8, vm0, $0xb8;
	[tilespmem:$0x16800] =	vst v63  }
0x199: {  	s22 =	simm.s32 $0x7800  }
0x19a: {  	[tilespmem:s22], [sflag:$0x2] =	stream.indirect_vreg.gather [hbm4b:s1+s18], $0x80, v7, vm0, $0xb8;
	[tilespmem:$0x16800] =	vst v63  }
0x19b: {  	s23 =	simm.s32 $0x8000  }
0x19c: {  	[tilespmem:s23], [sflag:$0x2] =	stream.indirect_vreg.gather [hbm4b:s8+s18], $0x80, v7, vm0, $0xb8;
	[tilespmem:$0x16800] =	vst v63  }
0x19d: {  	v7 =	vld [tilespmem:$0x4810];
	_ =	sdelay $0x4  }
0x19e: {  	v8 =	vshrl.u32 v7, $0x3  }
0x19f: {  	v8 =	vmul.u32 $0x28, v8  }
0x1a0: {  	v7 =	vand.u32 $0x7, v7  }
0x1a1: {  	v7 =	vor.u32 v7, v8  }
0x1a2: {  	v8 =	vperm.xlane v7, v4;
	_ =	sdelay $0x1  }
0x1a3: {  	v8 =	vadd.s32 v5, v8;
	_ =	sdelay $0x1  }
0x1a4: {  	v7 =	vperm.xlane v7, v6;
	_ =	sdelay $0x1  }
0x1a5: {  	s24 =	simm.s32 $0x8800;
	v7 =	vadd.s32 v5, v7  }
0x1a6: {  	[tilespmem:s24], [sflag:$0x2] =	stream.indirect_vreg.gather [hbm4b:s1+s18], $0x80, v8, vm0, $0xb8;
	[tilespmem:$0x16800] =	vst v63  }
0x1a7: {  	s25 =	simm.s32 $0x9000  }
0x1a8: {  	[tilespmem:s25], [sflag:$0x2] =	stream.indirect_vreg.gather [hbm4b:s8+s18], $0x80, v8, vm0, $0xb8;
	[tilespmem:$0x16800] =	vst v63  }
0x1a9: {  	s20 =	simm.s32 $0x9800  }
0x1aa: {  	[tilespmem:s20], [sflag:$0x2] =	stream.indirect_vreg.gather [hbm4b:s1+s18], $0x80, v7, vm0, $0xb8;
	[tilespmem:$0x16800] =	vst v63  }
0x1ab: {  	s21 =	simm.s32 $0xA000  }
0x1ac: {  	[tilespmem:s21], [sflag:$0x2] =	stream.indirect_vreg.gather [hbm4b:s8+s18], $0x80, v7, vm0, $0xb8;
	[tilespmem:$0x16800] =	vst v63  }
0x1ad: {  	v7 =	vld [tilespmem:$0x4820];
	_ =	sdelay $0x4  }
0x1ae: {  	v8 =	vshrl.u32 v7, $0x3  }
0x1af: {  	v8 =	vmul.u32 $0x28, v8  }
0x1b0: {  	v7 =	vand.u32 $0x7, v7  }
0x1b1: {  	v7 =	vor.u32 v7, v8  }
0x1b2: {  	v8 =	vperm.xlane v7, v4;
	_ =	sdelay $0x1  }
0x1b3: {  	v8 =	vadd.s32 v5, v8;
	_ =	sdelay $0x1  }
0x1b4: {  	v7 =	vperm.xlane v7, v6;
	_ =	sdelay $0x1  }
0x1b5: {  	s22 =	simm.s32 $0xA800;
	v7 =	vadd.s32 v5, v7  }
0x1b6: {  	[tilespmem:s22], [sflag:$0x2] =	stream.indirect_vreg.gather [hbm4b:s1+s18], $0x80, v8, vm0, $0xb8;
	[tilespmem:$0x16800] =	vst v63  }
0x1b7: {  	s23 =	simm.s32 $0xB000  }
0x1b8: {  	[tilespmem:s23], [sflag:$0x2] =	stream.indirect_vreg.gather [hbm4b:s8+s18], $0x80, v8, vm0, $0xb8;
	[tilespmem:$0x16800] =	vst v63  }
0x1b9: {  	s24 =	simm.s32 $0xB800  }
0x1ba: {  	[tilespmem:s24], [sflag:$0x2] =	stream.indirect_vreg.gather [hbm4b:s1+s18], $0x80, v7, vm0, $0xb8;
	[tilespmem:$0x16800] =	vst v63  }
0x1bb: {  	s25 =	simm.s32 $0xC000  }
0x1bc: {  	[tilespmem:s25], [sflag:$0x2] =	stream.indirect_vreg.gather [hbm4b:s8+s18], $0x80, v7, vm0, $0xb8;
	[tilespmem:$0x16800] =	vst v63  }
0x1bd: {  	v7 =	vld [tilespmem:$0x4830];
	_ =	sdelay $0x4  }
0x1be: {  	v8 =	vshrl.u32 v7, $0x3  }
0x1bf: {  	v8 =	vmul.u32 $0x28, v8  }
0x1c0: {  	v7 =	vand.u32 $0x7, v7  }
0x1c1: {  	v7 =	vor.u32 v7, v8  }
0x1c2: {  	v8 =	vperm.xlane v7, v4;
	_ =	sdelay $0x1  }
0x1c3: {  	v8 =	vadd.s32 v5, v8;
	_ =	sdelay $0x2  }
0x1c4: {  	v7 =	vperm.xlane v7, v6;
	_ =	sdelay $0x1  }
0x1c5: {  	v7 =	vadd.s32 v5, v7;
	[tilespmem:s26], [sflag:$0x2] =	stream.indirect_vreg.gather [hbm4b:s1+s18], $0x80, v8, vm0, $0xb8;
	[tilespmem:$0x16800] =	vst v63  }
0x1c6: {  	p0 =	slt.s32 s17, $0x1  }
0x1c7: {  	[tilespmem:s28], [sflag:$0x2] =	stream.indirect_vreg.gather [hbm4b:s8+s18], $0x80, v8, vm0, $0xb8;
	[tilespmem:$0x16800] =	vst v63  }
.Ltmp15:
0x1c8: {  	_ = 	snop;
	(pc) =	sbr.rel @p0 .LBB2_26-.Ltmp15, $4  }
0x1c9: {  	_ = 	snop  }
0x1ca: {  	[tilespmem:s29], [sflag:$0x2] =	stream.indirect_vreg.gather [hbm4b:s1+s18], $0x80, v7, vm0, $0xb8;
	[tilespmem:$0x16800] =	vst v63  }
0x1cb: {  	_ = 	snop  }
0x1cc: {  	[tilespmem:s30], [sflag:$0x2] =	stream.indirect_vreg.gather [hbm4b:s8+s18], $0x80, v7, vm0, $0xb8;
	[tilespmem:$0x16800] =	vst v63  }
.Ltmp16:
0x1cd: {  	(pc) =	sbr.rel .LBB2_23-.Ltmp16, $2  }
0x1ce: {  	_ =	sdelay $0x2  }
0x1cf: {  	s19 =	simm.s32 $0x5820;
	s20 =	simm.s32 $0x4870  }
.LBB2_25:
0x1d0: {  	v7 =	vld [tilespmem:s19+$0xFFFFFFE0];
	_ =	sdelay $0x4  }
0x1d1: {  	v8 =	vshrl.u32 v7, $0x3  }
0x1d2: {  	v8 =	vmul.u32 $0x28, v8  }
0x1d3: {  	v7 =	vand.u32 $0x7, v7  }
0x1d4: {  	v7 =	vor.u32 v7, v8  }
0x1d5: {  	v8 =	vperm.xlane v7, v4;
	_ =	sdelay $0x1  }
0x1d6: {  	v8 =	vadd.s32 v5, v8;
	_ =	sdelay $0x1  }
0x1d7: {  	v7 =	vperm.xlane v7, v6;
	_ =	sdelay $0x1  }
0x1d8: {  	s22 =	sor.u32 $0x6800, s21;
	v7 =	vadd.s32 v5, v7  }
0x1d9: {  	[hbm4b:s6+s4] =	stream.indirect_vreg.scatter [tilespmem:s22], [sflag:$0x3], $0x80, v8, vm0, $0xb8;
	[tilespmem:$0x16800] =	vst v63  }
0x1da: {  	s23 =	sor.u32 $0x7000, s21  }
0x1db: {  	[hbm4b:s9+s4] =	stream.indirect_vreg.scatter [tilespmem:s23], [sflag:$0x3], $0x80, v8, vm0, $0xb8;
	[tilespmem:$0x16800] =	vst v63  }
0x1dc: {  	s24 =	sor.u32 $0x7800, s21  }
0x1dd: {  	[hbm4b:s6+s4] =	stream.indirect_vreg.scatter [tilespmem:s24], [sflag:$0x3], $0x80, v7, vm0, $0xb8;
	[tilespmem:$0x16800] =	vst v63  }
0x1de: {  	s25 =	sadd.s32 $0x8000, s21  }
0x1df: {  	[hbm4b:s9+s4] =	stream.indirect_vreg.scatter [tilespmem:s25], [sflag:$0x3], $0x80, v7, vm0, $0xb8;
	[tilespmem:$0x16800] =	vst v63  }
0x1e0: {  	v7 =	vld [tilespmem:s19+$0xFFFFFFF0];
	_ =	sdelay $0x4  }
0x1e1: {  	v8 =	vshrl.u32 v7, $0x3  }
0x1e2: {  	v8 =	vmul.u32 $0x28, v8  }
0x1e3: {  	v7 =	vand.u32 $0x7, v7  }
0x1e4: {  	v7 =	vor.u32 v7, v8  }
0x1e5: {  	v8 =	vperm.xlane v7, v4;
	_ =	sdelay $0x1  }
0x1e6: {  	v8 =	vadd.s32 v5, v8;
	_ =	sdelay $0x1  }
0x1e7: {  	v7 =	vperm.xlane v7, v6;
	_ =	sdelay $0x1  }
0x1e8: {  	s23 =	sadd.s32 $0x8800, s21;
	v7 =	vadd.s32 v5, v7  }
0x1e9: {  	[hbm4b:s6+s4] =	stream.indirect_vreg.scatter [tilespmem:s23], [sflag:$0x3], $0x80, v8, vm0, $0xb8;
	[tilespmem:$0x16800] =	vst v63  }
0x1ea: {  	s24 =	sadd.s32 $0x9000, s21  }
0x1eb: {  	[hbm4b:s9+s4] =	stream.indirect_vreg.scatter [tilespmem:s24], [sflag:$0x3], $0x80, v8, vm0, $0xb8;
	[tilespmem:$0x16800] =	vst v63  }
0x1ec: {  	s25 =	sadd.s32 $0x9800, s21  }
0x1ed: {  	[hbm4b:s6+s4] =	stream.indirect_vreg.scatter [tilespmem:s25], [sflag:$0x3], $0x80, v7, vm0, $0xb8;
	[tilespmem:$0x16800] =	vst v63  }
0x1ee: {  	s23 =	sadd.s32 $0xA000, s21  }
0x1ef: {  	[hbm4b:s9+s4] =	stream.indirect_vreg.scatter [tilespmem:s23], [sflag:$0x3], $0x80, v7, vm0, $0xb8;
	[tilespmem:$0x16800] =	vst v63  }
0x1f0: {  	v7 =	vld [tilespmem:s19+$0x0];
	_ =	sdelay $0x4  }
0x1f1: {  	v8 =	vshrl.u32 v7, $0x3  }
0x1f2: {  	v8 =	vmul.u32 $0x28, v8  }
0x1f3: {  	v7 =	vand.u32 $0x7, v7  }
0x1f4: {  	v7 =	vor.u32 v7, v8  }
0x1f5: {  	v8 =	vperm.xlane v7, v4;
	_ =	sdelay $0x1  }
0x1f6: {  	v8 =	vadd.s32 v5, v8;
	_ =	sdelay $0x1  }
0x1f7: {  	v7 =	vperm.xlane v7, v6;
	_ =	sdelay $0x1  }
0x1f8: {  	s24 =	sadd.s32 $0xA800, s21;
	v7 =	vadd.s32 v5, v7  }
0x1f9: {  	[hbm4b:s6+s4] =	stream.indirect_vreg.scatter [tilespmem:s24], [sflag:$0x3], $0x80, v8, vm0, $0xb8;
	[tilespmem:$0x16800] =	vst v63  }
0x1fa: {  	s25 =	sadd.s32 $0xB000, s21  }
0x1fb: {  	[hbm4b:s9+s4] =	stream.indirect_vreg.scatter [tilespmem:s25], [sflag:$0x3], $0x80, v8, vm0, $0xb8;
	[tilespmem:$0x16800] =	vst v63  }
0x1fc: {  	s23 =	sadd.s32 $0xB800, s21  }
0x1fd: {  	[hbm4b:s6+s4] =	stream.indirect_vreg.scatter [tilespmem:s23], [sflag:$0x3], $0x80, v7, vm0, $0xb8;
	[tilespmem:$0x16800] =	vst v63  }
0x1fe: {  	s24 =	sadd.s32 $0xC000, s21  }
0x1ff: {  	[hbm4b:s9+s4] =	stream.indirect_vreg.scatter [tilespmem:s24], [sflag:$0x3], $0x80, v7, vm0, $0xb8;
	[tilespmem:$0x16800] =	vst v63  }
0x200: {  	v7 =	vld [tilespmem:s19+$0x10];
	_ =	sdelay $0x4  }
0x201: {  	v8 =	vshrl.u32 v7, $0x3  }
0x202: {  	v8 =	vmul.u32 $0x28, v8  }
0x203: {  	v7 =	vand.u32 $0x7, v7  }
0x204: {  	v7 =	vor.u32 v7, v8  }
0x205: {  	v8 =	vperm.xlane v7, v4;
	_ =	sdelay $0x1  }
0x206: {  	v8 =	vadd.s32 v5, v8;
	_ =	sdelay $0x2  }
0x207: {  	v7 =	vperm.xlane v7, v6  }
0x208: {  	s25 =	sadd.s32 $0xC800, s21  }
0x209: {  	v7 =	vadd.s32 v5, v7;
	[hbm4b:s6+s4] =	stream.indirect_vreg.scatter [tilespmem:s25], [sflag:$0x3], $0x80, v8, vm0, $0xb8;
	[tilespmem:$0x16800] =	vst v63  }
0x20a: {  	p0 =	sne.s32 s17, s18;
	s23 =	sadd.s32 $0xD000, s21  }
0x20b: {  	[hbm4b:s9+s4] =	stream.indirect_vreg.scatter [tilespmem:s23], [sflag:$0x3], $0x80, v8, vm0, $0xb8;
	[tilespmem:$0x16800] =	vst v63  }
.Ltmp17:
0x20c: {  	_ = 	snop;
	(pc) =	sbr.rel @!p0 .LBB2_26-.Ltmp17, $4  }
0x20d: {  	s24 =	sadd.s32 $0xD800, s21  }
0x20e: {  	[hbm4b:s6+s4] =	stream.indirect_vreg.scatter [tilespmem:s24], [sflag:$0x3], $0x80, v7, vm0, $0xb8;
	[tilespmem:$0x16800] =	vst v63  }
0x20f: {  	s20 =	sadd.s32 $0x40, s20;
	s19 =	sadd.s32 $0x80, s19;
	s25 =	sadd.s32 $0xE000, s21  }
0x210: {  	[hbm4b:s9+s4] =	stream.indirect_vreg.scatter [tilespmem:s25], [sflag:$0x3], $0x80, v7, vm0, $0xb8;
	[tilespmem:$0x16800] =	vst v63  }
.LBB2_23:
0x211: {  	p0 =	seq.s32 s18, $0x0;
	s21 =	sand.u32 $0x1, s18;
	s18 =	sadd.s32 $0x1, s18  }
0x212: {  	_ =	swait.ge [sflag:s31], $0x8000;
	p1 =	sge.s32 s18, s17  }
.Ltmp18:
0x213: {  	[sflag:s31] =	ssyncset.done $0x0;
	(pc) =	sbr.rel @p1 .LBB2_25-.Ltmp18, $4  }
0x214: {  	s22 =	simm.s32 @!p0 $0x3;
	[sflag:s31] =	ssyncadd.s32 $0xFFFF8000  }
0x215: {  	_ =	swait.ge @!p0 [sflag:s22], $0x8000  }
0x216: {  	[sflag:s22] =	ssyncset.done @!p0 $0x0  }
0x217: {  	s21 =	sshll.u32 s21, $0xF;
	[sflag:s22] =	ssyncadd.s32 @!p0 $0xFFFF8000  }
0x218: {  	v7 =	vld [tilespmem:s20+$0xFFFFFFD0];
	_ =	sdelay $0x4  }
0x219: {  	v8 =	vshrl.u32 v7, $0x3  }
0x21a: {  	v8 =	vmul.u32 $0x28, v8  }
0x21b: {  	v7 =	vand.u32 $0x7, v7  }
0x21c: {  	v7 =	vor.u32 v7, v8  }
0x21d: {  	v8 =	vperm.xlane v7, v4;
	_ =	sdelay $0x1  }
0x21e: {  	v8 =	vadd.s32 v5, v8;
	_ =	sdelay $0x1  }
0x21f: {  	v7 =	vperm.xlane v7, v6  }
0x220: {  	s22 =	sxor.u32 $0x8000, s21  }
0x221: {  	s23 =	sor.u32 $0x6800, s22;
	v7 =	vadd.s32 v5, v7  }
0x222: {  	[tilespmem:s23], [sflag:$0x2] =	stream.indirect_vreg.gather [hbm4b:s1+s4], $0x80, v8, vm0, $0xb8;
	[tilespmem:$0x16800] =	vst v63  }
0x223: {  	s24 =	sor.u32 $0x7000, s22  }
0x224: {  	[tilespmem:s24], [sflag:$0x2] =	stream.indirect_vreg.gather [hbm4b:s8+s4], $0x80, v8, vm0, $0xb8;
	[tilespmem:$0x16800] =	vst v63  }
0x225: {  	s25 =	sor.u32 $0x7800, s22  }
0x226: {  	[tilespmem:s25], [sflag:$0x2] =	stream.indirect_vreg.gather [hbm4b:s1+s4], $0x80, v7, vm0, $0xb8;
	[tilespmem:$0x16800] =	vst v63  }
0x227: {  	s24 =	sadd.s32 $0x8000, s22  }
0x228: {  	[tilespmem:s24], [sflag:$0x2] =	stream.indirect_vreg.gather [hbm4b:s8+s4], $0x80, v7, vm0, $0xb8;
	[tilespmem:$0x16800] =	vst v63  }
0x229: {  	v7 =	vld [tilespmem:s20+$0xFFFFFFE0];
	_ =	sdelay $0x4  }
0x22a: {  	v8 =	vshrl.u32 v7, $0x3  }
0x22b: {  	v8 =	vmul.u32 $0x28, v8  }
0x22c: {  	v7 =	vand.u32 $0x7, v7  }
0x22d: {  	v7 =	vor.u32 v7, v8  }
0x22e: {  	v8 =	vperm.xlane v7, v4;
	_ =	sdelay $0x1  }
0x22f: {  	v8 =	vadd.s32 v5, v8;
	_ =	sdelay $0x1  }
0x230: {  	v7 =	vperm.xlane v7, v6;
	_ =	sdelay $0x1  }
0x231: {  	s25 =	sadd.s32 $0x8800, s22;
	v7 =	vadd.s32 v5, v7  }
0x232: {  	[tilespmem:s25], [sflag:$0x2] =	stream.indirect_vreg.gather [hbm4b:s1+s4], $0x80, v8, vm0, $0xb8;
	[tilespmem:$0x16800] =	vst v63  }
0x233: {  	s24 =	sadd.s32 $0x9000, s22  }
0x234: {  	[tilespmem:s24], [sflag:$0x2] =	stream.indirect_vreg.gather [hbm4b:s8+s4], $0x80, v8, vm0, $0xb8;
	[tilespmem:$0x16800] =	vst v63  }
0x235: {  	s25 =	sadd.s32 $0x9800, s22  }
0x236: {  	[tilespmem:s25], [sflag:$0x2] =	stream.indirect_vreg.gather [hbm4b:s1+s4], $0x80, v7, vm0, $0xb8;
	[tilespmem:$0x16800] =	vst v63  }
0x237: {  	s24 =	sadd.s32 $0xA000, s22  }
0x238: {  	[tilespmem:s24], [sflag:$0x2] =	stream.indirect_vreg.gather [hbm4b:s8+s4], $0x80, v7, vm0, $0xb8;
	[tilespmem:$0x16800] =	vst v63  }
0x239: {  	v7 =	vld [tilespmem:s20+$0xFFFFFFF0];
	_ =	sdelay $0x4  }
0x23a: {  	v8 =	vshrl.u32 v7, $0x3  }
0x23b: {  	v8 =	vmul.u32 $0x28, v8  }
0x23c: {  	v7 =	vand.u32 $0x7, v7  }
0x23d: {  	v7 =	vor.u32 v7, v8  }
0x23e: {  	v8 =	vperm.xlane v7, v4;
	_ =	sdelay $0x1  }
0x23f: {  	v8 =	vadd.s32 v5, v8;
	_ =	sdelay $0x1  }
0x240: {  	v7 =	vperm.xlane v7, v6;
	_ =	sdelay $0x1  }
0x241: {  	s25 =	sadd.s32 $0xA800, s22;
	v7 =	vadd.s32 v5, v7  }
0x242: {  	[tilespmem:s25], [sflag:$0x2] =	stream.indirect_vreg.gather [hbm4b:s1+s4], $0x80, v8, vm0, $0xb8;
	[tilespmem:$0x16800] =	vst v63  }
0x243: {  	s24 =	sadd.s32 $0xB000, s22  }
0x244: {  	[tilespmem:s24], [sflag:$0x2] =	stream.indirect_vreg.gather [hbm4b:s8+s4], $0x80, v8, vm0, $0xb8;
	[tilespmem:$0x16800] =	vst v63  }
0x245: {  	s25 =	sadd.s32 $0xB800, s22  }
0x246: {  	[tilespmem:s25], [sflag:$0x2] =	stream.indirect_vreg.gather [hbm4b:s1+s4], $0x80, v7, vm0, $0xb8;
	[tilespmem:$0x16800] =	vst v63  }
0x247: {  	s24 =	sadd.s32 $0xC000, s22  }
0x248: {  	[tilespmem:s24], [sflag:$0x2] =	stream.indirect_vreg.gather [hbm4b:s8+s4], $0x80, v7, vm0, $0xb8;
	[tilespmem:$0x16800] =	vst v63  }
0x249: {  	v7 =	vld [tilespmem:s20+$0x0];
	_ =	sdelay $0x4  }
0x24a: {  	v8 =	vshrl.u32 v7, $0x3  }
0x24b: {  	v8 =	vmul.u32 $0x28, v8  }
0x24c: {  	v7 =	vand.u32 $0x7, v7  }
0x24d: {  	v7 =	vor.u32 v7, v8  }
0x24e: {  	v8 =	vperm.xlane v7, v4;
	_ =	sdelay $0x1  }
0x24f: {  	v8 =	vadd.s32 v5, v8;
	_ =	sdelay $0x2  }
0x250: {  	v7 =	vperm.xlane v7, v6  }
0x251: {  	s25 =	sadd.s32 $0xC800, s22  }
0x252: {  	v7 =	vadd.s32 v5, v7;
	[tilespmem:s25], [sflag:$0x2] =	stream.indirect_vreg.gather [hbm4b:s1+s4], $0x80, v8, vm0, $0xb8;
	[tilespmem:$0x16800] =	vst v63  }
0x253: {  	s24 =	sadd.s32 $0xD000, s22  }
0x254: {  	[tilespmem:s24], [sflag:$0x2] =	stream.indirect_vreg.gather [hbm4b:s8+s4], $0x80, v8, vm0, $0xb8;
	[tilespmem:$0x16800] =	vst v63  }
.Ltmp19:
0x255: {  	_ = 	snop;
	(pc) =	sbr.rel .LBB2_25-.Ltmp19, $4  }
0x256: {  	s25 =	sadd.s32 $0xD800, s22  }
0x257: {  	[tilespmem:s25], [sflag:$0x2] =	stream.indirect_vreg.gather [hbm4b:s1+s4], $0x80, v7, vm0, $0xb8;
	[tilespmem:$0x16800] =	vst v63  }
0x258: {  	s22 =	sadd.s32 $0xE000, s22  }
0x259: {  	[tilespmem:s22], [sflag:$0x2] =	stream.indirect_vreg.gather [hbm4b:s8+s4], $0x80, v7, vm0, $0xb8;
	[tilespmem:$0x16800] =	vst v63  }
.LBB2_26:
0x25a: {  	p0 =	sgt.s32 s16, $0x1  }
0x25b: {  	s16 =	simm.s32 @!p0 $0x1  }
0x25c: {  	p0 =	sne.s32 s16, $0x1  }
.Ltmp20:
0x25d: {  	_ =	swait.ge [sflag:s0], $0x8000;
	(pc) =	sbr.rel @!p0 .LBB2_28-.Ltmp20, $4  }
0x25e: {  	[sflag:s0] =	ssyncset.done $0x0  }
0x25f: {  	[sflag:s0] =	ssyncadd.s32 $0xFFFF8000  }
0x260: {  	_ =	swait.ge [sflag:s14], $0x10  }
0x261: {  	s16 =	sadd.s32 $0xFFFFFFFF, s16;
	[sflag:s14] =	ssyncset.done $0x0  }
.LBB2_27:
0x262: {  	p0 =	sne.s32 s16, $0x1;
	s16 =	sadd.s32 $0xFFFFFFFF, s16;
	[sflag:s14] =	ssyncadd.s32 $0xFFFFFFF0  }
.Ltmp21:
0x263: {  	(pc) =	sbr.rel @p0 .LBB2_27-.Ltmp21, $3  }
0x264: {  	_ =	sdelay $0x1  }
0x265: {  	_ =	swait.ge [sflag:s14], $0x10  }
0x266: {  	[sflag:s14] =	ssyncset.done $0x0  }
.Ltmp22:
0x267: {  	_ = 	snop;
	(pc) =	sbr.rel .LBB2_28-.Ltmp22, $1  }
0x268: {  	_ =	sdelay $0x3  }
.LBB2_13:
.Ltmp23:
0x269: {  	(pc) =	sbr.rel .LBB2_17-.Ltmp23, $2  }
0x26a: {  	_ =	sdelay $0x2  }
0x26b: {  	s20 =	simm.s32 $0x5820  }
.LBB2_15:
.Ltmp24:
0x26c: {  	(pc) =	sbr.rel .LBB2_17-.Ltmp24, $2  }
0x26d: {  	_ =	sdelay $0x2  }
0x26e: {  	s20 =	simm.s32 $0x5820  }
.LBB2_30:
0x26f: {  	_ =	sfence.sel $0x180000  }
0x270: {  	[bflag:$0x0] =	sbarrier.arrive $0xFFFF  }
0x271: {  	_ =	strace $0x90000047  }
0x272: {  	[bflag:$0x2] =	sbarrier.arrive $0xFFFF  }
0x273: {  	p0 =	sne.s32 s5, $0x0;
	s0 =	rddreg [dreg:$0x4]  }
0x274: {  	s0 =	sadd.s32 @!p0 $0x100000, s0  }
0x275: {  	[sflag:s0] =	ssyncadd.tile.s32 @!p0 $0x1;
	_ =	shalt  }
.Lfunc_end2:
_tile_overlayer_lowered:
.L_overlay_start_2:
0x276: {  	(tag) =	ssettag $0x2  }
0x277: {  	s0 =	rddreg [dreg:$0x0];
	s2 =	stileid.u32  }
0x278: {  	s1 =	rddreg [dreg:$0x1];
	p0 =	sne.s32 s2, $0x0  }
0x279: {  	s3 =	rddreg [dreg:$0x2];
	[bflag:$0x3] =	sbarrier.arrive $0xFFFF;
	s2 =	simm.s32 @!p0 $0x1C05  }
0x27a: {  	[timem:s3], [sflag:s2] =	dma.local @!p0 [hbm:s0], s1  }
0x27b: {  	s0 =	simm.s32 @!p0 $0x5  }
0x27c: {  	_ =	swait.ge @!p0 [sflag:s0], s1  }
0x27d: {  	s1 =	ssub.s32 @!p0 $0x0, s1;
	[sflag:s0] =	ssyncset.done @!p0 $0x0  }
0x27e: {  	[sflag:s0] =	ssyncadd.s32 @!p0 s1  }
0x27f: {  	[bflag:$0x3] =	sbarrier.arrive $0xFFFF  }
0x280: {  	_ =	shalt  }

// kernel: sparse-core-data-format-call.cloned.1.call-start
scs
called_computation_lowered:
.L_overlay_start_0:
0x0: {  	s2 =	sld [smem:$0x3FD9]  }
0x1: {  	s3 =	sld [smem:$0x3FFE];
	_ =	sdelay $0x1  }
0x2: {  	s1 =	srdreg.scid  }
0x3: {  	s0 =	sand.u32 $0x1, s1  }
0x4: {  	s18 =	sshll.u32 s0, $0xA;
	s2 =	sadd.s32 s3, s2  }
0x5: {  	s2 =	sadd.s32 s2, s18  }
0x6: {  	[smem:$0x3FC3] =	sst s2  }
0x7: {  	_ = 	snop  }
0x8: {  	s2 =	sld [smem:$0x3FD0];
	(tm) =	ssettm $0x1  }
0x9: {  	s19 =	sld [smem:$0x3FFB];
	_ =	sdelay $0x3  }
0xa: {  	_ =	strace s19  }
0xb: {  	s3 =	sld [smem:$0x3FFC];
	_ =	sdelay $0x3  }
0xc: {  	_ =	strace s3  }
0xd: {  	s3 =	sld [smem:$0x3FFD];
	_ =	sdelay $0x3  }
0xe: {  	_ =	strace s3  }
0xf: {  	_ =	strace $0x8FFFFFFF  }
0x10: {  	s20 =	sld [smem:$0x3FDB];
	_ =	sdelay $0x1  }
0x11: {  	s4 =	simm.s32 $_scs_section_size  }
0x12: {  	s5 =	simm.s32 $_size__tile_overlayer_lowered;
	s6 =	simm.s32 $_tile_overlayer_lowered  }
0x13: {  	s23 =	simm.s32 $0x1BFF;
	s22 =	sshll.u32 s6, $0x1;
	s3 =	sadd.s32 s4, s20  }
0x14: {  	s7 =	simm.s32 $0x0;
	s21 =	sshll.u32 s5, $0x1;
	s5 =	sadd.s32 s22, s3  }
0x15: {  	[timem:s7], [sflag:s23] =	dma.local [hbm:s5], s21  }
0x16: {  	_ =	swait.ge [sflag:s23], s21  }
0x17: {  	s4 =	ssub.s32 $0x0, s21;
	[sflag:s23] =	ssyncset.done $0x0  }
0x18: {  	[sflag:s23] =	ssyncadd.s32 s4;
	_ =	sdelay $0x1  }
0x19: {  	s24 =	simm.s32 $0x1B8B  }
0x1a: {  	_ =	swait.ge [sflag:s24], $0x1  }
0x1b: {  	[sflag:s24] =	ssyncset.done $0x0  }
0x1c: {  	s26 =	simm.s32 $0x1B8E;
	s25 =	sld [smem:$0x3FFE];
	[sflag:s24] =	ssyncadd.s32 $0xFFFFFFFF  }
0x1d: {  	s27 =	simm.s32 $execute0_lowered;
	[smem:$0x3FD2] =	sst s26  }
0x1e: {  	s5 =	sshll.u32 s27, $0x1;
	_ =	strace $0x80000049;
	[dreg:$0x1] =	wrdreg $0xFFFFFFFF  }
0x1f: {  	s28 =	simm.s32 $_size_execute0_lowered;
	s3 =	sadd.s32 s3, s5;
	[dreg:$0x0] =	wrdreg $0x0  }
0x20: {  	s5 =	sshll.u32 s28, $0x1;
	[dreg:$0x2] =	wrdreg s3  }
0x21: {  	[dreg:$0x3] =	wrdreg s5  }
0x22: {  	[dreg:$0x4] =	wrdreg $0xC0  }
0x23: {  	_ =	task [dreg:s7], $0x5FFFF  }
0x24: {  	[dreg:$0x1] =	wrdreg $0xFFFFFFFF  }
0x25: {  	[dreg:$0x0] =	wrdreg $0x60  }
0x26: {  	[dreg:$0x2] =	wrdreg s25  }
0x27: {  	[dreg:$0x3] =	wrdreg s2  }
0x28: {  	[dreg:$0x4] =	wrdreg $0x9  }
0x29: {  	_ =	task.clear_ibuf [dreg:s7], $0x5FFFF;
	_ =	strace $0x90000049  }
0x2a: {  	s29 =	simm.s32 $0x9;
	_ =	strace $0x8000004B  }
0x2b: {  	_ =	swait.ge [sflag:s29], $0x1  }
0x2c: {  	[sflag:s29] =	ssyncadd.s32 $0xFFFFFFFF  }
0x2d: {  	_ =	strace $0x9000004B  }
0x2e: {  	_ =	sfence  }
0x2f: {  	s30 =	sld [smem:$0x0];
	_ =	sdelay $0x2  }
0x30: {  	s31 =	sshll.u32 s1, $0xD;
	s1 =	sshrl.u32 s1, $0x2  }
0x31: {  	s3 =	sand.u32 $0x4000, s31;
	s1 =	sadd.s32 s1, s30  }
0x32: {  	s0 =	sor.u32 s3, s0;
	s1 =	sshll.u32 s1, $0x11  }
0x33: {  	s0 =	sor.u32 s1, s0  }
0x34: {  	s0 =	sadd.s32 $0x8F2B, s0  }
0x35: {  	[sflag:s0] =	ssyncadd.remote.s32 $0x1  }
0x36: {  	_ =	sfence.sel $0xFFFF  }
0x37: {  	[dreg:$0x0] =	wrdreg $0xFFFFFFFF;
	(pc) =	sbr.abs _section_cstart, $3  }
0x38: {  	[dreg:$0x1] =	wrdreg $0xFFFFFFFF  }
0x39: {  	_ =	task.clear_ibuf [dreg:s7], $0x2FFFF;
	_ =	strace $0x9FFFFFFF  }
0x3a: {  	(tm) =	ssettm $0x7FFFFFFF  }
0x3b: {  	_ =	shalt  }
tec
execute0_lowered:
.L_overlay_start_1:
0x0: {  	(tag) =	ssettag $0x1  }
0x1: {  	s1 =	rddreg [dreg:$0x0]  }
0x2: {  	s2 =	rddreg [dreg:$0x1]  }
0x3: {  	s0 =	rddreg [dreg:$0x2]  }
0x4: {  	s4 =	srdreg.scid;
	_ =	strace $0x8000004A;
	s6 =	simm.s32 $0x2  }
0x5: {  	s14 =	simm.s32 $0x0;
	p0 =	por $0x0, $0x0;
	s15 =	simm.s32 $0x0  }
0x6: {  	s16 =	simm.s32 $0x0;
	s7 =	simm.s32 $0x0;
	s9 =	simm.s32 $0x0  }
.Ltmp0:
0x7: {  	s10 =	simm.s32 $0x0;
	s11 =	simm.s32 $0x0;
	(pc) =	sbr.rel .LBB1_1-.Ltmp0, $4  }
0x8: {  	s12 =	simm.s32 $0x0;
	s3 =	sadd.s32 $0x800, s1;
	s4 =	sshll.u32 s4, $0x4  }
0x9: {  	s1 =	stileid.u32;
	s5 =	sand.u32 $0x10, s4;
	s4 =	simm.s32 $0x1  }
0xa: {  	s8 =	simm.s32 $0x0;
	s5 =	sor.u32 s1, s5;
	[sflag:s4] =	ssyncpa.u1 $0x0  }
0xb: {  	[sflag:s6] =	ssyncpa.u1 $0x0;
	s6 =	simm.s32 $0x800;
	s13 =	smov.u32 s5  }
.LBB1_5:
0xc: {  	p1 =	slt.u32 s8, $0x2  }
0xd: {  	p2 =	sgt.s32 @!p1 s16, $0xFF  }
0xe: {  	s17 =	smov.u32 s16;
	s18 =	sshra.s32 @!p1 s16, $0x1F;
	p2 =	por !p2, p1  }
0xf: {  	s16 =	sand.u32 @!p1 s18, s16;
	s17 =	simm.s32 @p2 $0xFF  }
0x10: {  	p3 =	sgt.s32 @!p1 s15, $0x80;
	s16 =	ssub.s32 @!p1 s17, s16  }
0x11: {  	p3 =	por !p3, p1;
	s18 =	sshra.s32 @!p1 s15, $0x1F;
	s17 =	sadd.s32 @!p1 $0xFFFFFF01, s16  }
0x12: {  	s16 =	ssub.s32 @!p1 $0x100, s16;
	p2 =	sgt.s32 @!p1 s17, $0x0;
	s17 =	smov.u32 s15  }
0x13: {  	s15 =	sand.u32 @!p1 s18, s15;
	s17 =	simm.s32 @p3 $0x80;
	p3 =	sgt.s32 @!p1 s14, $0x1C0  }
0x14: {  	s18 =	smov.u32 s14;
	p2 =	por !p2, p1;
	p3 =	por !p3, p1  }
0x15: {  	s15 =	ssub.s32 @!p1 s17, s15;
	s17 =	sshra.s32 @!p1 s14, $0x1F;
	s16 =	simm.s32 @!p2 $0x0  }
0x16: {  	s18 =	simm.s32 @p3 $0x1C0;
	s14 =	sand.u32 @!p1 s17, s14;
	s17 =	sadd.s32 @!p1 $0xFFFFFF80, s15  }
0x17: {  	s15 =	ssub.s32 @!p1 $0x100, s15;
	s14 =	ssub.s32 @!p1 s18, s14;
	p2 =	sgt.s32 @!p1 s17, $0x7F  }
0x18: {  	s18 =	smov.u32 s12;
	s17 =	sadd.s32 @!p1 $0xFFFFFE40, s14;
	p2 =	por !p2, p1  }
0x19: {  	s14 =	ssub.s32 @!p1 $0x240, s14;
	p3 =	sgt.s32 @!p1 s17, $0x7F;
	s15 =	simm.s32 @!p2 $0x0  }
0x1a: {  	s17 =	sadd.s32 $0x80, s11;
	p2 =	por !p3, p1;
	s15 =	smul.u32 @!p1 s16, s15  }
0x1b: {  	s16 =	sadd.s32 $0x80, s12;
	s14 =	simm.s32 @!p2 $0x0;
	p2 =	sgt.s32 s17, $0x23F  }
0x1c: {  	s19 =	smov.u32 s13;
	s18 =	smov.u32 @p2 s16  }
0x1d: {  	s14 =	smul.u32 @!p1 s14, s15;
	s15 =	sadd.s32 $0x20, s13;
	p3 =	sgt.s32 s18, $0xFF  }
0x1e: {  	s8 =	sadd.s32 $0x1, s8;
	p0 =	por !p0, !p0;
	s19 =	smov.u32 @p3 s15  }
0x1f: {  	s20 =	simm.s32 @!p1 $0x2;
	s17 =	simm.s32 @p2 $0x0;
	p2 =	sgt.s32 s19, $0xFF  }
0x20: {  	s16 =	smov.u32 s10;
	s19 =	smov.u32 @p2 s5;
	p2 =	sne.s32 s8, $0x52  }
.Ltmp1:
0x21: {  	s10 =	smov.u32 s13;
	s14 =	sand.u32 @!p1 $0x3FFFFFFF, s14;
	(pc) =	sbr.rel @!p2 .LBB1_6-.Ltmp1, $4  }
0x22: {  	s18 =	simm.s32 @p3 $0x0;
	s15 =	smov.u32 s9;
	s9 =	smov.u32 s12  }
0x23: {  	_ =	swait.ge @!p1 [sflag:s20], s14;
	s21 =	ssub.s32 @!p1 $0x0, s14;
	s14 =	smov.u32 s7  }
0x24: {  	s7 =	smov.u32 s11;
	s11 =	smov.u32 s17;
	[sflag:s20] =	ssyncset.done @!p1 $0x0  }
0x25: {  	s12 =	smov.u32 s18;
	[sflag:s20] =	ssyncadd.s32 @!p1 s21;
	s13 =	smov.u32 s19  }
.LBB1_1:
0x26: {  	p1 =	sgt.u32 s8, $0x4F  }
0x27: {  	s17 =	sshrl.u32 @!p1 s12, $0x3  }
0x28: {  	s18 =	sshll.u32 @!p1 s11, $0x3;
	s17 =	smul.u32 @!p1 $0x1400, s17  }
0x29: {  	s19 =	sshll.u32 @!p1 s12, $0x7;
	s18 =	sand.u32 @!p1 $0xFFFFFC00, s18  }
0x2a: {  	s17 =	sadd.s32 @!p1 s17, s18;
	s18 =	sand.u32 @!p1 $0x380, s19  }
0x2b: {  	s19 =	sand.u32 @!p1 $0x7F, s11;
	s17 =	sor.u32 @!p1 s18, s17  }
0x2c: {  	s18 =	sor.u32 @!p1 s19, s17  }
0x2d: {  	s19 =	smulhi.u32 @!p1 $0xCCCCCCCD, s18  }
0x2e: {  	s17 =	smulhi.u32 @!p1 $0xCCCCCCCD, s17  }
0x2f: {  	s19 =	sshrl.u32 @!p1 s19, $0x9  }
0x30: {  	s17 =	sshrl.u32 @!p1 s17, $0x9;
	s19 =	smul.u32 @!p1 $0x280, s19  }
0x31: {  	s20 =	sxor.u32 @!p1 $0xFFFFFFFF, s8;
	s21 =	smul.u32 @!p1 $0x5000, s13;
	s17 =	sand.u32 @!p1 $0xFF, s17  }
0x32: {  	s20 =	sshll.u32 @!p1 s20, $0xE;
	s17 =	smul.u32 @!p1 $0x50, s17;
	s18 =	ssub.s32 @!p1 s18, s19  }
0x33: {  	s19 =	sand.u32 @!p1 $0x4000, s20;
	s20 =	sadd.s32 @!p1 s3, s21;
	s21 =	sand.u32 @!p1 $0x7, s18  }
0x34: {  	s18 =	sshrl.u32 @!p1 s18, $0x3;
	s17 =	sadd.s32 @!p1 s17, s20;
	s20 =	sshll.u32 @!p1 s21, $0x12  }
0x35: {  	s17 =	sadd.s32 @!p1 s18, s17;
	s18 =	sor.u32 @!p1 $0x400, s20;
	s20 =	simm.s32 @!p1 $0x1400  }
0x36: {  	[tilespmem:s19], [sflag:$0x1] =	stream.strided.gather @!p1 [hbm4b:s17+s18], $0x4000, s20, s18, $0x38;
	[tilespmem:$0x10100] =	vst v63  }
0x37: {  	p1 =	seq.s32 s8, $0x0  }
0x38: {  	p2 =	seq.s32 @!p1 s8, $0x51  }
0x39: {  	p1 =	por p1, p2  }
.Ltmp2:
0x3a: {  	_ = 	snop;
	(pc) =	sbr.rel @p1 .LBB1_5-.Ltmp2, $1  }
0x3b: {  	_ =	sdelay $0x3  }
0x3c: {  	s17 =	simm.s32 $0x1  }
0x3d: {  	_ =	swait.ge [sflag:s4], $0x4000;
	s17 =	simm.s32 @!p0 $0x0  }
0x3e: {  	[sflag:s4] =	ssyncset.done $0x0;
	s18 =	sshll.u32 s17, $0xE  }
0x3f: {  	[sflag:s4] =	ssyncadd.s32 $0xFFFFC000;
	s18 =	sor.u32 $0x40, s18  }
0x40: {  	s17 =	smul.u32 $0x10200, s17;
	v0 =	vld [tilespmem:s18+$0x30]  }
0x41: {  	v1 =	vld [tilespmem:s18+$0xFFFFFFD0]  }
0x42: {  	s17 =	sshrl.u32 s17, $0x2;
	v5 =	vld [tilespmem:s18+$0xFFFFFFE0]  }
0x43: {  	v6 =	vld [tilespmem:s18+$0xFFFFFFF0];
	s20 =	sor.u32 $0x8000, s17  }
0x44: {  	s31 =	sand.u32 $0x1, s8;
	v4 =	vld [tilespmem:s18+$0x0];
	s19 =	sadd.s32 $0x0, s20  }
0x45: {  	v3 =	vld [tilespmem:s18+$0x10];
	s17 =	smul.u32 $0x10200, s31;
	[tilespmem:s19+$0x3870 ss:$0x81] =	vst.msk $0xffff, v0  }
0x46: {  	v2 =	vld [tilespmem:s18+$0x20];
	[tilespmem:s19+$0x810 ss:$0x81] =	vst.msk $0xffff, v1  }
0x47: {  	s17 =	sshrl.u32 s17, $0x2;
	v1 =	vld [tilespmem:s18+$0xFFFFFFC0];
	[tilespmem:s19+$0x1020 ss:$0x81] =	vst.msk $0xffff, v5;
	s18 =	sadd.s32 $0x80, s18  }
0x48: {  	s21 =	simm.s32 $0x4;
	s22 =	simm.s32 $0x8;
	s17 =	sor.u32 $0x8000, s17;
	[tilespmem:s19+$0x1830 ss:$0x81] =	vst.msk $0xffff, v6;
	v0 =	vld [tilespmem:s18+$0x30]  }
.LBB1_3:
0x49: {  	p1 =	sne.s32 s22, $0x1FC;
	v5 =	vld [tilespmem:s18+$0xFFFFFFD0];
	[tilespmem:s19+$0x2040 ss:$0x81] =	vst.msk $0xffff, v4  }
0x4a: {  	v6 =	vld [tilespmem:s18+$0xFFFFFFE0];
	[tilespmem:s19+$0x2850 ss:$0x81] =	vst.msk $0xffff, v3  }
0x4b: {  	s23 =	sshra.s32 s21, $0x2;
	s21 =	smov.u32 s22;
	v7 =	vld [tilespmem:s18+$0xFFFFFFF0];
	[tilespmem:s19+$0x3060 ss:$0x81] =	vst.msk $0xffff, v2  }
.Ltmp3:
0x4c: {  	v4 =	vld [tilespmem:s18+$0x0];
	[tilespmem:s19+$0x0 ss:$0x81] =	vst.msk $0xffff, v1;
	s19 =	sadd.s32 s23, s20;
	(pc) =	sbr.rel @p1 .LBB1_3-.Ltmp3, $4  }
0x4d: {  	v3 =	vld [tilespmem:s18+$0x10];
	[tilespmem:s19+$0x3870 ss:$0x81] =	vst.msk $0xffff, v0  }
0x4e: {  	[tilespmem:s19+$0x810 ss:$0x81] =	vst.msk $0xffff, v5;
	v2 =	vld [tilespmem:s18+$0x20]  }
0x4f: {  	v1 =	vld [tilespmem:s18+$0xFFFFFFC0];
	[tilespmem:s19+$0x1020 ss:$0x81] =	vst.msk $0xffff, v6;
	s18 =	sadd.s32 $0x80, s18  }
0x50: {  	s22 =	sadd.s32 $0x4, s22;
	v0 =	vld [tilespmem:s18+$0x30];
	[tilespmem:s19+$0x1830 ss:$0x81] =	vst.msk $0xffff, v7  }
0x51: {  	s22 =	sshll.u32 s7, $0x8  }
0x52: {  	s23 =	sshll.u32 s9, $0x3;
	s24 =	sshll.u32 s7, $0x7;
	p1 =	sgt.s32 s10, $0xFF  }
0x53: {  	s25 =	smov.u32 s10;
	s26 =	sshra.s32 s10, $0x1F;
	s21 =	sshra.s32 s21, $0x2  }
0x54: {  	p2 =	sgt.s32 s9, $0x80;
	s27 =	sshra.s32 s9, $0x1F;
	s22 =	sand.u32 $0xFFFFF800, s22  }
0x55: {  	s23 =	sand.u32 $0xFFFFFC00, s23;
	s28 =	sand.u32 $0x300, s24;
	s25 =	simm.s32 @!p1 $0xFF  }
0x56: {  	s26 =	sand.u32 s26, s10;
	s20 =	sadd.s32 s21, s20;
	s31 =	sand.u32 s27, s9  }
0x57: {  	s27 =	smov.u32 s7;
	s24 =	sand.u32 $0x80, s24;
	s22 =	sadd.s32 s23, s22  }
0x58: {  	s30 =	ssub.s32 s25, s26;
	s26 =	smov.u32 s9;
	s22 =	sor.u32 s28, s22  }
0x59: {  	s25 =	sadd.s32 $0xFFFFFF01, s30;
	s26 =	simm.s32 @!p2 $0x80;
	p2 =	sgt.s32 s7, $0x1C0  }
0x5a: {  	v5 =	vld [tilespmem:s18+$0xFFFFFFD0];
	[tilespmem:s19+$0x2040 ss:$0x81] =	vst.msk $0xffff, v4;
	s28 =	sshra.s32 s7, $0x1F;
	s23 =	ssub.s32 $0x100, s30;
	s22 =	sshrl.u32 s22, $0x8  }
0x5b: {  	v58 =	vld [tilespmem:s18+$0xFFFFFFE0];
	[tilespmem:s19+$0x2850 ss:$0x81] =	vst.msk $0xffff, v3;
	p1 =	sgt.s32 s25, $0x0;
	s25 =	ssub.s32 s26, s31;
	s27 =	simm.s32 @!p2 $0x1C0  }
0x5c: {  	v59 =	vld [tilespmem:s18+$0xFFFFFFF0];
	[tilespmem:s19+$0x3060 ss:$0x81] =	vst.msk $0xffff, v2;
	s26 =	sand.u32 s28, s7;
	s29 =	smulhi.u32 $0xE38E39, s22;
	s30 =	sadd.s32 $0xFFFFFF80, s25  }
0x5d: {  	v60 =	vld [tilespmem:s18+$0x0];
	[tilespmem:s19+$0x0 ss:$0x81] =	vst.msk $0xffff, v1;
	s23 =	simm.s32 @p1 $0x0;
	s25 =	ssub.s32 $0x100, s25;
	p1 =	sgt.s32 s30, $0x7F  }
0x5e: {  	v61 =	vld [tilespmem:s18+$0x10];
	[tilespmem:s20+$0x3870 ss:$0x81] =	vst.msk $0xffff, v0;
	s21 =	sshrl.u32 s29, $0x1;
	s29 =	ssub.s32 s27, s26;
	s27 =	smul.u32 $0x4800, s10  }
0x5f: {  	v62 =	vld [tilespmem:s18+$0x20];
	[tilespmem:s20+$0x810 ss:$0x81] =	vst.msk $0xffff, v5;
	s25 =	simm.s32 @p1 $0x0;
	s26 =	sand.u32 $0x78, s9;
	s21 =	smul.u32 $0x240, s21  }
0x60: {  	v63 =	vld [tilespmem:s18+$0xFFFFFFC0];
	[tilespmem:s20+$0x1020 ss:$0x81] =	vst.msk $0xffff, v58;
	s31 =	sadd.s32 $0xFFFFFE40, s29;
	s19 =	ssub.s32 $0x240, s29;
	s23 =	smul.u32 s23, s25  }
0x61: {  	[tilespmem:s20+$0x1830 ss:$0x81] =	vst.msk $0xffff, v59;
	s18 =	sor.u32 s26, s24;
	s29 =	sand.u32 $0x7, s9;
	p2 =	sgt.s32 s31, $0x7F  }
.Ltmp4:
0x62: {  	[tilespmem:s20+$0x2040 ss:$0x81] =	vst.msk $0xffff, v60;
	s18 =	sshrl.u32 s18, $0x3;
	s19 =	simm.s32 @p2 $0x0;
	(pc) =	sbr.rel .LBB1_5-.Ltmp4, $4  }
0x63: {  	[tilespmem:s20+$0x2850 ss:$0x81] =	vst.msk $0xffff, v61;
	s28 =	sadd.s32 s2, s27;
	s21 =	ssub.s32 s22, s21;
	s19 =	smul.u32 s19, s23  }
0x64: {  	[tilespmem:s20+$0x3060 ss:$0x81] =	vst.msk $0xffff, v62;
	s30 =	sshll.u32 s29, $0x12;
	s18 =	sadd.s32 s18, s28;
	s21 =	sshll.u32 s21, $0x5  }
0x65: {  	[tilespmem:s20+$0x0 ss:$0x81] =	vst.msk $0xffff, v63;
	s31 =	sor.u32 $0x400, s30;
	s18 =	sadd.s32 s21, s18;
	s19 =	sand.u32 $0x3FFFFFFF, s19  }
0x66: {  	[hbm4b:s18+s31] =	stream.strided.scatter [tilespmem:s17], [sflag:$0x2], s19, s6, s31, $0x20;
	[tilespmem:$0x10100] =	vst v63  }
.LBB1_6:
0x67: {  	_ =	sfence.sel $0x180000  }
0x68: {  	s2 =	simm.s32 $0x1;
	[bflag:$0x0] =	sbarrier.arrive $0xFFFF  }
0x69: {  	s31 =	simm.s32 $0x2;
	[sflag:s2] =	ssyncpa.u1 $0x1  }
0x6a: {  	[sflag:s31] =	ssyncpa.u1 $0x1  }
0x6b: {  	p0 =	sne.s32 s1, $0x0;
	_ =	strace $0x9000004A  }
0x6c: {  	s0 =	sadd.s32 @!p0 $0x100000, s0;
	[bflag:$0x2] =	sbarrier.arrive $0xFFFF  }
0x6d: {  	[sflag:s0] =	ssyncadd.tile.s32 @!p0 $0x1;
	_ =	shalt  }
.Lfunc_end1:
_tile_overlayer_lowered:
.L_overlay_start_2:
0x6e: {  	(tag) =	ssettag $0x2  }
0x6f: {  	s0 =	rddreg [dreg:$0x0];
	s2 =	stileid.u32  }
0x70: {  	s1 =	rddreg [dreg:$0x1];
	p0 =	sne.s32 s2, $0x0  }
0x71: {  	s3 =	rddreg [dreg:$0x2];
	[bflag:$0x3] =	sbarrier.arrive $0xFFFF;
	s2 =	simm.s32 @!p0 $0x1C01  }
0x72: {  	[timem:s3], [sflag:s2] =	dma.local @!p0 [hbm:s0], s1  }
0x73: {  	s0 =	simm.s32 @!p0 $0x1  }
0x74: {  	_ =	swait.ge @!p0 [sflag:s0], s1  }
0x75: {  	s1 =	ssub.s32 @!p0 $0x0, s1;
	[sflag:s0] =	ssyncset.done @!p0 $0x0  }
0x76: {  	[sflag:s0] =	ssyncadd.s32 @!p0 s1  }
0x77: {  	[bflag:$0x3] =	sbarrier.arrive $0xFFFF  }
0x78: {  	_ =	shalt  }

</sc_bundles>
